<compile_context>
chip_gen: v7x
topology: tpu7x:2x2x1
jax: 0.10.2.dev20260603
libtpu: 0.0.44.dev20260713+nightly
codegen_flags: <defaults>
</compile_context>

<pallas_src>
import functools

import jax
import jax.numpy as jnp
from jax import lax
from jax.experimental import pallas as pl
from jax.experimental.pallas import tpu as pltpu
from jax.experimental.pallas import tpu_sc as plsc

NUM_MONTHS = 12
N = 1_000_000
L = 16
NC = 2
NS = 16
NW = NC * NS
NV = N // L
BASE_V = NV // NW
EXTRA = NV - BASE_V * NW
CHUNK_V = 651
NCHUNKS = BASE_V // CHUNK_V
UNROLL = 7
ACC = 256
ACCB = 512


def _sc_body(out_hbm, tgt_hbm, ids_hbm, prt_hbm,
             obuf0, tbuf0, ibuf0, obuf1, tbuf1, ibuf1, sem0, sem1,
             accb):
    g = lax.axis_index("c") * NS + lax.axis_index("s")
    base_v = g * BASE_V + jnp.minimum(g, EXTRA)

    zeros = jnp.zeros((L,), jnp.float32)
    ones = jnp.ones((L,), jnp.float32)
    iota = lax.iota(jnp.int32, L)

    for j in range(ACCB // L):
        accb[pl.ds(j * L, L)] = zeros

    bufs = [(obuf0, tbuf0, ibuf0), (obuf1, tbuf1, ibuf1)]
    sems = [sem0, sem1]

    def start(c, b):
        eb = (base_v + c * CHUNK_V) * L
        sl = pl.ds(eb, CHUNK_V * L)
        ob, tb, ib = bufs[b]
        return [pltpu.async_copy(out_hbm.at[sl], ob, sems[b]),
                pltpu.async_copy(tgt_hbm.at[sl], tb, sems[b]),
                pltpu.async_copy(ids_hbm.at[sl], ib, sems[b])]

    pending = {0: start(0, 0)}
    for c in range(NCHUNKS):
        b = c & 1
        for h in pending.pop(b):
            h.wait()
        if c + 1 < NCHUNKS:
            pending[1 - b] = start(c + 1, 1 - b)
        ob, tb, ib = bufs[b]

        def load_block(blk):
            ids = [ib[pl.ds((blk * UNROLL + k) * L, L)] for k in range(UNROLL)]
            os_ = [ob[pl.ds((blk * UNROLL + k) * L, L)] for k in range(UNROLL)]
            ts_ = [tb[pl.ds((blk * UNROLL + k) * L, L)] for k in range(UNROLL)]
            idxs = tuple(ids[k] * L + iota for k in range(UNROLL))
            dfs = tuple(os_[k] - ts_[k] for k in range(UNROLL))
            return idxs + dfs

        def store_block(vals):
            for k in range(UNROLL):
                plsc.addupdate_scatter(accb, [vals[k]], vals[UNROLL + k])
                plsc.addupdate_scatter(accb, [vals[k] + ACC], ones)

        def vbody(blk, vals):
            nxt = load_block(blk + 1)
            store_block(vals)
            return nxt

        last = lax.fori_loop(0, CHUNK_V // UNROLL - 1, vbody, load_block(0))
        store_block(last)

    @pl.when(g < EXTRA)
    def _():
        eb = (base_v + BASE_V) * L
        sl = pl.ds(0, L)
        pltpu.sync_copy(ids_hbm.at[pl.ds(eb, L)], ibuf0.at[sl])
        pltpu.sync_copy(out_hbm.at[pl.ds(eb, L)], obuf0.at[sl])
        pltpu.sync_copy(tgt_hbm.at[pl.ds(eb, L)], tbuf0.at[sl])
        idx = ibuf0[sl] * L + iota
        plsc.addupdate_scatter(accb, [idx], obuf0[sl] - tbuf0[sl])
        plsc.addupdate_scatter(accb, [idx + ACC], ones)

    pltpu.sync_copy(accb, prt_hbm.at[g])


def _tc_finalize(prt_ref, out_ref):
    loss = jnp.float32(0.0)
    for m in range(NUM_MONTHS):
        sm = jnp.sum(prt_ref[:, pl.ds(m * L, L)])
        cm = jnp.sum(prt_ref[:, pl.ds(ACC + m * L, L)])
        d = sm / jnp.maximum(cm, 1.0)
        loss = loss + d * d
    out_ref[0, 0] = loss * jnp.float32(1.0 / NUM_MONTHS)


@jax.jit
def _monthly_loss(output, target, month_ids):
    mesh = plsc.VectorSubcoreMesh(
        core_axis_name="c", subcore_axis_name="s", num_cores=NC,
        num_subcores=NS)
    run = pl.kernel(
        _sc_body,
        out_type=jax.ShapeDtypeStruct((NW, ACCB), jnp.float32),
        mesh=mesh,
        scratch_types=[
            pltpu.VMEM((CHUNK_V * L,), jnp.float32),
            pltpu.VMEM((CHUNK_V * L,), jnp.float32),
            pltpu.VMEM((CHUNK_V * L,), jnp.int32),
            pltpu.VMEM((CHUNK_V * L,), jnp.float32),
            pltpu.VMEM((CHUNK_V * L,), jnp.float32),
            pltpu.VMEM((CHUNK_V * L,), jnp.int32),
            pltpu.SemaphoreType.DMA,
            pltpu.SemaphoreType.DMA,
            pltpu.VMEM((ACCB,), jnp.float32),
        ],
        compiler_params=pltpu.CompilerParams(needs_layout_passes=False, skip_device_barrier=True),
    )
    prt = run(output, target, month_ids)
    res = pl.pallas_call(
        _tc_finalize,
        out_shape=jax.ShapeDtypeStruct((1, 1), jnp.float32),
        in_specs=[pl.BlockSpec(memory_space=pltpu.MemorySpace.VMEM)],
        out_specs=pl.BlockSpec(memory_space=pltpu.MemorySpace.SMEM),
    )(prt)
    return res[0, 0]


def kernel(output, target, month_ids):
    return _monthly_loss(output, target, month_ids)

# --- scband reference (transcript-rebuilt; emitter-appended) ---
"""Pipeline reference for scband-monthly-average-loss-36979668418906 (READ-ONLY COPY).

The authoritative reference and input builder live on the scoring server;
editing this copy changes nothing except your own understanding.
"""

import jax, jax.numpy as jnp
import numpy as np

NUM_MONTHS = 12
N = 1000000


def _scatter_mean(data, ids, num_segments):
    # torch_scatter.scatter_mean equivalent: segment sums / counts
    sums = jax.ops.segment_sum(data, ids, num_segments=num_segments)
    counts = jax.ops.segment_sum(jnp.ones_like(data), ids, num_segments=num_segments)
    return sums / jnp.clip(counts, 1.0)


def setup_inputs(seed: int = 0) -> dict:
    key = jax.random.key(seed)
    k1, k2, k3 = jax.random.split(key, 3)
    output = jax.random.normal(k1, (N,), dtype=jnp.float32)
    target = jax.random.normal(k2, (N,), dtype=jnp.float32)
    # month index per timestep (0..11); sorted to mimic chronological month blocks
    month_ids = jnp.sort(jax.random.randint(k3, (N,), 0, NUM_MONTHS, dtype=jnp.int32))
    return {"output": output, "target": target, "month_ids": month_ids}


def reference(output, target, month_ids):
    # month_data(output): squeeze + scatter_mean over month indices
    monthly_output = _scatter_mean(jnp.squeeze(output), month_ids, NUM_MONTHS)
    monthly_target = _scatter_mean(jnp.squeeze(target), month_ids, NUM_MONTHS)
    diff = monthly_output - monthly_target
    monthly_loss = jnp.mean(diff ** 2)
    return monthly_loss

if __name__ == "__main__":
    import jax
    _d = setup_inputs()
    print(jax.jit(kernel)(*tuple(_d.values())))

</pallas_src>

<mosaic_0001>
#map = affine_map<(d0, d1) -> (0)>
#map1 = affine_map<(d0, d1) -> (0, 0)>
module attributes {stable_mosaic.version = 14 : i64} {
  func.func @_sc_body(%arg0: i32, %arg1: i32, %arg2: memref<1000000xf32, #tpu.memory_space<hbm>>, %arg3: memref<1000000xf32, #tpu.memory_space<hbm>>, %arg4: memref<1000000xi32, #tpu.memory_space<hbm>>, %arg5: memref<32x512xf32, #tpu.memory_space<hbm>>, %arg6: memref<10416xf32, #tpu.memory_space<vmem>>, %arg7: memref<10416xf32, #tpu.memory_space<vmem>>, %arg8: memref<10416xi32, #tpu.memory_space<vmem>>, %arg9: memref<10416xf32, #tpu.memory_space<vmem>>, %arg10: memref<10416xf32, #tpu.memory_space<vmem>>, %arg11: memref<10416xi32, #tpu.memory_space<vmem>>, %arg12: memref<!tpu.dma_semaphore, #tpu.memory_space<semaphore_mem>>, %arg13: memref<!tpu.dma_semaphore, #tpu.memory_space<semaphore_mem>>, %arg14: memref<512xf32, #tpu.memory_space<vmem>>) attributes {dimension_semantics = [#tpu.dimension_semantics<core_parallel>, #tpu.dimension_semantics<subcore_parallel>], iteration_bounds = array<i64: 2, 16>, scalar_prefetch = 0 : i64, scratch_operands = 9 : i64, tpu.core_type = #tpu.core_type<sc_vector_subcore>, window_params = [{transform_indices = #map}, {transform_indices = #map}, {transform_indices = #map}, {transform_indices = #map1}]} {
    %mul3A = arith.constant 16 : i32
    %mul3A_0 = arith.muli %arg0, %mul3A : i32
    %add3A = arith.addi %mul3A_0, %arg1 : i32
    %mul3A_1 = arith.constant 1953 : i32
    %mul3A_2 = arith.muli %add3A, %mul3A_1 : i32
    %min3A = arith.constant 4 : i32
    %min3A_3 = arith.minsi %add3A, %min3A : i32
    %add3A_4 = arith.addi %mul3A_2, %min3A_3 : i32
    %broadcast_in_dim3A = arith.constant 0.000000e+00 : f32
    %broadcast_in_dim3A_5 = vector.broadcast %broadcast_in_dim3A : f32 to vector<16xf32>
    %broadcast_in_dim3A_6 = arith.constant 1.000000e+00 : f32
    %broadcast_in_dim3A_7 = vector.broadcast %broadcast_in_dim3A_6 : f32 to vector<16xf32>
    %iota3A = tpu.iota {dimensions = array<i32: 0>} : vector<16xi32>
    %swap3A = arith.constant 0 : index
    %swap3A_8 = tpu.vector_load %arg14[%swap3A] {strides = array<i32>} : memref<512xf32, #tpu.memory_space<vmem>>, vector<16xf32>,
    tpu.vector_store %arg14[%swap3A], %broadcast_in_dim3A_5 {strides = array<i32>} : memref<512xf32, #tpu.memory_space<vmem>>, vector<16xf32>,
    %swap3A_9 = arith.constant 16 : index
    %swap3A_10 = tpu.vector_load %arg14[%swap3A_9] {strides = array<i32>} : memref<512xf32, #tpu.memory_space<vmem>>, vector<16xf32>,
    tpu.vector_store %arg14[%swap3A_9], %broadcast_in_dim3A_5 {strides = array<i32>} : memref<512xf32, #tpu.memory_space<vmem>>, vector<16xf32>,
    %swap3A_11 = arith.constant 32 : index
    %swap3A_12 = tpu.vector_load %arg14[%swap3A_11] {strides = array<i32>} : memref<512xf32, #tpu.memory_space<vmem>>, vector<16xf32>,
    tpu.vector_store %arg14[%swap3A_11], %broadcast_in_dim3A_5 {strides = array<i32>} : memref<512xf32, #tpu.memory_space<vmem>>, vector<16xf32>,
    %swap3A_13 = arith.constant 48 : index
    %swap3A_14 = tpu.vector_load %arg14[%swap3A_13] {strides = array<i32>} : memref<512xf32, #tpu.memory_space<vmem>>, vector<16xf32>,
    tpu.vector_store %arg14[%swap3A_13], %broadcast_in_dim3A_5 {strides = array<i32>} : memref<512xf32, #tpu.memory_space<vmem>>, vector<16xf32>,
    %swap3A_15 = arith.constant 64 : index
    %swap3A_16 = tpu.vector_load %arg14[%swap3A_15] {strides = array<i32>} : memref<512xf32, #tpu.memory_space<vmem>>, vector<16xf32>,
    tpu.vector_store %arg14[%swap3A_15], %broadcast_in_dim3A_5 {strides = array<i32>} : memref<512xf32, #tpu.memory_space<vmem>>, vector<16xf32>,
    %swap3A_17 = arith.constant 80 : index
    %swap3A_18 = tpu.vector_load %arg14[%swap3A_17] {strides = array<i32>} : memref<512xf32, #tpu.memory_space<vmem>>, vector<16xf32>,
    tpu.vector_store %arg14[%swap3A_17], %broadcast_in_dim3A_5 {strides = array<i32>} : memref<512xf32, #tpu.memory_space<vmem>>, vector<16xf32>,
    %swap3A_19 = arith.constant 96 : index
    %swap3A_20 = tpu.vector_load %arg14[%swap3A_19] {strides = array<i32>} : memref<512xf32, #tpu.memory_space<vmem>>, vector<16xf32>,
    tpu.vector_store %arg14[%swap3A_19], %broadcast_in_dim3A_5 {strides = array<i32>} : memref<512xf32, #tpu.memory_space<vmem>>, vector<16xf32>,
    %swap3A_21 = arith.constant 112 : index
    %swap3A_22 = tpu.vector_load %arg14[%swap3A_21] {strides = array<i32>} : memref<512xf32, #tpu.memory_space<vmem>>, vector<16xf32>,
    tpu.vector_store %arg14[%swap3A_21], %broadcast_in_dim3A_5 {strides = array<i32>} : memref<512xf32, #tpu.memory_space<vmem>>, vector<16xf32>,
    %swap3A_23 = arith.constant 128 : index
    %swap3A_24 = tpu.vector_load %arg14[%swap3A_23] {strides = array<i32>} : memref<512xf32, #tpu.memory_space<vmem>>, vector<16xf32>,
    tpu.vector_store %arg14[%swap3A_23], %broadcast_in_dim3A_5 {strides = array<i32>} : memref<512xf32, #tpu.memory_space<vmem>>, vector<16xf32>,
    %swap3A_25 = arith.constant 144 : index
    %swap3A_26 = tpu.vector_load %arg14[%swap3A_25] {strides = array<i32>} : memref<512xf32, #tpu.memory_space<vmem>>, vector<16xf32>,
    tpu.vector_store %arg14[%swap3A_25], %broadcast_in_dim3A_5 {strides = array<i32>} : memref<512xf32, #tpu.memory_space<vmem>>, vector<16xf32>,
    %swap3A_27 = arith.constant 160 : index
    %swap3A_28 = tpu.vector_load %arg14[%swap3A_27] {strides = array<i32>} : memref<512xf32, #tpu.memory_space<vmem>>, vector<16xf32>,
    tpu.vector_store %arg14[%swap3A_27], %broadcast_in_dim3A_5 {strides = array<i32>} : memref<512xf32, #tpu.memory_space<vmem>>, vector<16xf32>,
    %swap3A_29 = arith.constant 176 : index
    %swap3A_30 = tpu.vector_load %arg14[%swap3A_29] {strides = array<i32>} : memref<512xf32, #tpu.memory_space<vmem>>, vector<16xf32>,
    tpu.vector_store %arg14[%swap3A_29], %broadcast_in_dim3A_5 {strides = array<i32>} : memref<512xf32, #tpu.memory_space<vmem>>, vector<16xf32>,
    %swap3A_31 = arith.constant 192 : index
    %swap3A_32 = tpu.vector_load %arg14[%swap3A_31] {strides = array<i32>} : memref<512xf32, #tpu.memory_space<vmem>>, vector<16xf32>,
    tpu.vector_store %arg14[%swap3A_31], %broadcast_in_dim3A_5 {strides = array<i32>} : memref<512xf32, #tpu.memory_space<vmem>>, vector<16xf32>,
    %swap3A_33 = arith.constant 208 : index
    %swap3A_34 = tpu.vector_load %arg14[%swap3A_33] {strides = array<i32>} : memref<512xf32, #tpu.memory_space<vmem>>, vector<16xf32>,
    tpu.vector_store %arg14[%swap3A_33], %broadcast_in_dim3A_5 {strides = array<i32>} : memref<512xf32, #tpu.memory_space<vmem>>, vector<16xf32>,
    %swap3A_35 = arith.constant 224 : index
    %swap3A_36 = tpu.vector_load %arg14[%swap3A_35] {strides = array<i32>} : memref<512xf32, #tpu.memory_space<vmem>>, vector<16xf32>,
    tpu.vector_store %arg14[%swap3A_35], %broadcast_in_dim3A_5 {strides = array<i32>} : memref<512xf32, #tpu.memory_space<vmem>>, vector<16xf32>,
    %swap3A_37 = arith.constant 240 : index
    %swap3A_38 = tpu.vector_load %arg14[%swap3A_37] {strides = array<i32>} : memref<512xf32, #tpu.memory_space<vmem>>, vector<16xf32>,
    tpu.vector_store %arg14[%swap3A_37], %broadcast_in_dim3A_5 {strides = array<i32>} : memref<512xf32, #tpu.memory_space<vmem>>, vector<16xf32>,
    %swap3A_39 = arith.constant 256 : index
    %swap3A_40 = tpu.vector_load %arg14[%swap3A_39] {strides = array<i32>} : memref<512xf32, #tpu.memory_space<vmem>>, vector<16xf32>,
    tpu.vector_store %arg14[%swap3A_39], %broadcast_in_dim3A_5 {strides = array<i32>} : memref<512xf32, #tpu.memory_space<vmem>>, vector<16xf32>,
    %swap3A_41 = arith.constant 272 : index
    %swap3A_42 = tpu.vector_load %arg14[%swap3A_41] {strides = array<i32>} : memref<512xf32, #tpu.memory_space<vmem>>, vector<16xf32>,
    tpu.vector_store %arg14[%swap3A_41], %broadcast_in_dim3A_5 {strides = array<i32>} : memref<512xf32, #tpu.memory_space<vmem>>, vector<16xf32>,
    %swap3A_43 = arith.constant 288 : index
    %swap3A_44 = tpu.vector_load %arg14[%swap3A_43] {strides = array<i32>} : memref<512xf32, #tpu.memory_space<vmem>>, vector<16xf32>,
    tpu.vector_store %arg14[%swap3A_43], %broadcast_in_dim3A_5 {strides = array<i32>} : memref<512xf32, #tpu.memory_space<vmem>>, vector<16xf32>,
    %swap3A_45 = arith.constant 304 : index
    %swap3A_46 = tpu.vector_load %arg14[%swap3A_45] {strides = array<i32>} : memref<512xf32, #tpu.memory_space<vmem>>, vector<16xf32>,
    tpu.vector_store %arg14[%swap3A_45], %broadcast_in_dim3A_5 {strides = array<i32>} : memref<512xf32, #tpu.memory_space<vmem>>, vector<16xf32>,
    %swap3A_47 = arith.constant 320 : index
    %swap3A_48 = tpu.vector_load %arg14[%swap3A_47] {strides = array<i32>} : memref<512xf32, #tpu.memory_space<vmem>>, vector<16xf32>,
    tpu.vector_store %arg14[%swap3A_47], %broadcast_in_dim3A_5 {strides = array<i32>} : memref<512xf32, #tpu.memory_space<vmem>>, vector<16xf32>,
    %swap3A_49 = arith.constant 336 : index
    %swap3A_50 = tpu.vector_load %arg14[%swap3A_49] {strides = array<i32>} : memref<512xf32, #tpu.memory_space<vmem>>, vector<16xf32>,
    tpu.vector_store %arg14[%swap3A_49], %broadcast_in_dim3A_5 {strides = array<i32>} : memref<512xf32, #tpu.memory_space<vmem>>, vector<16xf32>,
    %swap3A_51 = arith.constant 352 : index
    %swap3A_52 = tpu.vector_load %arg14[%swap3A_51] {strides = array<i32>} : memref<512xf32, #tpu.memory_space<vmem>>, vector<16xf32>,
    tpu.vector_store %arg14[%swap3A_51], %broadcast_in_dim3A_5 {strides = array<i32>} : memref<512xf32, #tpu.memory_space<vmem>>, vector<16xf32>,
    %swap3A_53 = arith.constant 368 : index
    %swap3A_54 = tpu.vector_load %arg14[%swap3A_53] {strides = array<i32>} : memref<512xf32, #tpu.memory_space<vmem>>, vector<16xf32>,
    tpu.vector_store %arg14[%swap3A_53], %broadcast_in_dim3A_5 {strides = array<i32>} : memref<512xf32, #tpu.memory_space<vmem>>, vector<16xf32>,
    %swap3A_55 = arith.constant 384 : index
    %swap3A_56 = tpu.vector_load %arg14[%swap3A_55] {strides = array<i32>} : memref<512xf32, #tpu.memory_space<vmem>>, vector<16xf32>,
    tpu.vector_store %arg14[%swap3A_55], %broadcast_in_dim3A_5 {strides = array<i32>} : memref<512xf32, #tpu.memory_space<vmem>>, vector<16xf32>,
    %swap3A_57 = arith.constant 400 : index
    %swap3A_58 = tpu.vector_load %arg14[%swap3A_57] {strides = array<i32>} : memref<512xf32, #tpu.memory_space<vmem>>, vector<16xf32>,
    tpu.vector_store %arg14[%swap3A_57], %broadcast_in_dim3A_5 {strides = array<i32>} : memref<512xf32, #tpu.memory_space<vmem>>, vector<16xf32>,
    %swap3A_59 = arith.constant 416 : index
    %swap3A_60 = tpu.vector_load %arg14[%swap3A_59] {strides = array<i32>} : memref<512xf32, #tpu.memory_space<vmem>>, vector<16xf32>,
    tpu.vector_store %arg14[%swap3A_59], %broadcast_in_dim3A_5 {strides = array<i32>} : memref<512xf32, #tpu.memory_space<vmem>>, vector<16xf32>,
    %swap3A_61 = arith.constant 432 : index
    %swap3A_62 = tpu.vector_load %arg14[%swap3A_61] {strides = array<i32>} : memref<512xf32, #tpu.memory_space<vmem>>, vector<16xf32>,
    tpu.vector_store %arg14[%swap3A_61], %broadcast_in_dim3A_5 {strides = array<i32>} : memref<512xf32, #tpu.memory_space<vmem>>, vector<16xf32>,
    %swap3A_63 = arith.constant 448 : index
    %swap3A_64 = tpu.vector_load %arg14[%swap3A_63] {strides = array<i32>} : memref<512xf32, #tpu.memory_space<vmem>>, vector<16xf32>,
    tpu.vector_store %arg14[%swap3A_63], %broadcast_in_dim3A_5 {strides = array<i32>} : memref<512xf32, #tpu.memory_space<vmem>>, vector<16xf32>,
    %swap3A_65 = arith.constant 464 : index
    %swap3A_66 = tpu.vector_load %arg14[%swap3A_65] {strides = array<i32>} : memref<512xf32, #tpu.memory_space<vmem>>, vector<16xf32>,
    tpu.vector_store %arg14[%swap3A_65], %broadcast_in_dim3A_5 {strides = array<i32>} : memref<512xf32, #tpu.memory_space<vmem>>, vector<16xf32>,
    %swap3A_67 = arith.constant 480 : index
    %swap3A_68 = tpu.vector_load %arg14[%swap3A_67] {strides = array<i32>} : memref<512xf32, #tpu.memory_space<vmem>>, vector<16xf32>,
    tpu.vector_store %arg14[%swap3A_67], %broadcast_in_dim3A_5 {strides = array<i32>} : memref<512xf32, #tpu.memory_space<vmem>>, vector<16xf32>,
    %swap3A_69 = arith.constant 496 : index
    %swap3A_70 = tpu.vector_load %arg14[%swap3A_69] {strides = array<i32>} : memref<512xf32, #tpu.memory_space<vmem>>, vector<16xf32>,
    tpu.vector_store %arg14[%swap3A_69], %broadcast_in_dim3A_5 {strides = array<i32>} : memref<512xf32, #tpu.memory_space<vmem>>, vector<16xf32>,
    %add3A_71 = arith.constant 0 : i32
    %add3A_72 = arith.addi %add3A_4, %add3A_71 : i32
    %mul3A_73 = arith.constant 16 : i32
    %mul3A_74 = arith.muli %add3A_72, %mul3A_73 : i32
    %dma_start3A = tpu.memref_slice %arg2[%mul3A_74] : memref<1000000xf32, #tpu.memory_space<hbm>> -> memref<10416xf32, #tpu.memory_space<hbm>>
    %dma_start3A_75 = tpu.memref_slice %arg2[%mul3A_74] : memref<1000000xf32, #tpu.memory_space<hbm>> -> memref<10416xf32, #tpu.memory_space<hbm>>
    tpu.enqueue_dma source(%dma_start3A_75 : memref<10416xf32, #tpu.memory_space<hbm>>) target(%arg6 : memref<10416xf32, #tpu.memory_space<vmem>>) target_semaphore(%arg12 : memref<!tpu.dma_semaphore, #tpu.memory_space<semaphore_mem>>)
    %dma_start3A_76 = tpu.memref_slice %arg3[%mul3A_74] : memref<1000000xf32, #tpu.memory_space<hbm>> -> memref<10416xf32, #tpu.memory_space<hbm>>
    %dma_start3A_77 = tpu.memref_slice %arg3[%mul3A_74] : memref<1000000xf32, #tpu.memory_space<hbm>> -> memref<10416xf32, #tpu.memory_space<hbm>>
    tpu.enqueue_dma source(%dma_start3A_77 : memref<10416xf32, #tpu.memory_space<hbm>>) target(%arg7 : memref<10416xf32, #tpu.memory_space<vmem>>) target_semaphore(%arg12 : memref<!tpu.dma_semaphore, #tpu.memory_space<semaphore_mem>>)
    %dma_start3A_78 = tpu.memref_slice %arg4[%mul3A_74] : memref<1000000xi32, #tpu.memory_space<hbm>> -> memref<10416xi32, #tpu.memory_space<hbm>>
    %dma_start3A_79 = tpu.memref_slice %arg4[%mul3A_74] : memref<1000000xi32, #tpu.memory_space<hbm>> -> memref<10416xi32, #tpu.memory_space<hbm>>
    tpu.enqueue_dma source(%dma_start3A_79 : memref<10416xi32, #tpu.memory_space<hbm>>) target(%arg8 : memref<10416xi32, #tpu.memory_space<vmem>>) target_semaphore(%arg12 : memref<!tpu.dma_semaphore, #tpu.memory_space<semaphore_mem>>)
    %dma_wait3A = tpu.memref_slice %arg2[%mul3A_74] : memref<1000000xf32, #tpu.memory_space<hbm>> -> memref<10416xf32, #tpu.memory_space<hbm>>
    %dma_wait3A_80 = tpu.memref_slice %arg2[%mul3A_74] : memref<1000000xf32, #tpu.memory_space<hbm>> -> memref<10416xf32, #tpu.memory_space<hbm>>
    tpu.wait_dma2 semaphore(%arg12 : memref<!tpu.dma_semaphore, #tpu.memory_space<semaphore_mem>>) src(%dma_wait3A_80 : memref<10416xf32, #tpu.memory_space<hbm>>) dst(%arg6 : memref<10416xf32, #tpu.memory_space<vmem>>)
    %dma_wait3A_81 = tpu.memref_slice %arg3[%mul3A_74] : memref<1000000xf32, #tpu.memory_space<hbm>> -> memref<10416xf32, #tpu.memory_space<hbm>>
    %dma_wait3A_82 = tpu.memref_slice %arg3[%mul3A_74] : memref<1000000xf32, #tpu.memory_space<hbm>> -> memref<10416xf32, #tpu.memory_space<hbm>>
    tpu.wait_dma2 semaphore(%arg12 : memref<!tpu.dma_semaphore, #tpu.memory_space<semaphore_mem>>) src(%dma_wait3A_82 : memref<10416xf32, #tpu.memory_space<hbm>>) dst(%arg7 : memref<10416xf32, #tpu.memory_space<vmem>>)
    %dma_wait3A_83 = tpu.memref_slice %arg4[%mul3A_74] : memref<1000000xi32, #tpu.memory_space<hbm>> -> memref<10416xi32, #tpu.memory_space<hbm>>
    %dma_wait3A_84 = tpu.memref_slice %arg4[%mul3A_74] : memref<1000000xi32, #tpu.memory_space<hbm>> -> memref<10416xi32, #tpu.memory_space<hbm>>
    tpu.wait_dma2 semaphore(%arg12 : memref<!tpu.dma_semaphore, #tpu.memory_space<semaphore_mem>>) src(%dma_wait3A_84 : memref<10416xi32, #tpu.memory_space<hbm>>) dst(%arg8 : memref<10416xi32, #tpu.memory_space<vmem>>)
    %add3A_85 = arith.constant 651 : i32
    %add3A_86 = arith.addi %add3A_4, %add3A_85 : i32
    %mul3A_87 = arith.constant 16 : i32
    %mul3A_88 = arith.muli %add3A_86, %mul3A_87 : i32
    %dma_start3A_89 = tpu.memref_slice %arg2[%mul3A_88] : memref<1000000xf32, #tpu.memory_space<hbm>> -> memref<10416xf32, #tpu.memory_space<hbm>>
    %dma_start3A_90 = tpu.memref_slice %arg2[%mul3A_88] : memref<1000000xf32, #tpu.memory_space<hbm>> -> memref<10416xf32, #tpu.memory_space<hbm>>
    tpu.enqueue_dma source(%dma_start3A_90 : memref<10416xf32, #tpu.memory_space<hbm>>) target(%arg9 : memref<10416xf32, #tpu.memory_space<vmem>>) target_semaphore(%arg13 : memref<!tpu.dma_semaphore, #tpu.memory_space<semaphore_mem>>)
    %dma_start3A_91 = tpu.memref_slice %arg3[%mul3A_88] : memref<1000000xf32, #tpu.memory_space<hbm>> -> memref<10416xf32, #tpu.memory_space<hbm>>
    %dma_start3A_92 = tpu.memref_slice %arg3[%mul3A_88] : memref<1000000xf32, #tpu.memory_space<hbm>> -> memref<10416xf32, #tpu.memory_space<hbm>>
    tpu.enqueue_dma source(%dma_start3A_92 : memref<10416xf32, #tpu.memory_space<hbm>>) target(%arg10 : memref<10416xf32, #tpu.memory_space<vmem>>) target_semaphore(%arg13 : memref<!tpu.dma_semaphore, #tpu.memory_space<semaphore_mem>>)
    %dma_start3A_93 = tpu.memref_slice %arg4[%mul3A_88] : memref<1000000xi32, #tpu.memory_space<hbm>> -> memref<10416xi32, #tpu.memory_space<hbm>>
    %dma_start3A_94 = tpu.memref_slice %arg4[%mul3A_88] : memref<1000000xi32, #tpu.memory_space<hbm>> -> memref<10416xi32, #tpu.memory_space<hbm>>
    tpu.enqueue_dma source(%dma_start3A_94 : memref<10416xi32, #tpu.memory_space<hbm>>) target(%arg11 : memref<10416xi32, #tpu.memory_space<vmem>>) target_semaphore(%arg13 : memref<!tpu.dma_semaphore, #tpu.memory_space<semaphore_mem>>)
    %get3A = arith.constant 0 : index
    %get3A_95 = tpu.vector_load %arg8[%get3A] {strides = array<i32>} : memref<10416xi32, #tpu.memory_space<vmem>>, vector<16xi32>,
    %get3A_96 = arith.constant 16 : index
    %get3A_97 = tpu.vector_load %arg8[%get3A_96] {strides = array<i32>} : memref<10416xi32, #tpu.memory_space<vmem>>, vector<16xi32>,
    %get3A_98 = arith.constant 32 : index
    %get3A_99 = tpu.vector_load %arg8[%get3A_98] {strides = array<i32>} : memref<10416xi32, #tpu.memory_space<vmem>>, vector<16xi32>,
    %get3A_100 = arith.constant 48 : index
    %get3A_101 = tpu.vector_load %arg8[%get3A_100] {strides = array<i32>} : memref<10416xi32, #tpu.memory_space<vmem>>, vector<16xi32>,
    %get3A_102 = arith.constant 64 : index
    %get3A_103 = tpu.vector_load %arg8[%get3A_102] {strides = array<i32>} : memref<10416xi32, #tpu.memory_space<vmem>>, vector<16xi32>,
    %get3A_104 = arith.constant 80 : index
    %get3A_105 = tpu.vector_load %arg8[%get3A_104] {strides = array<i32>} : memref<10416xi32, #tpu.memory_space<vmem>>, vector<16xi32>,
    %get3A_106 = arith.constant 96 : index
    %get3A_107 = tpu.vector_load %arg8[%get3A_106] {strides = array<i32>} : memref<10416xi32, #tpu.memory_space<vmem>>, vector<16xi32>,
    %get3A_108 = arith.constant 0 : index
    %get3A_109 = tpu.vector_load %arg6[%get3A_108] {strides = array<i32>} : memref<10416xf32, #tpu.memory_space<vmem>>, vector<16xf32>,
    %get3A_110 = arith.constant 16 : index
    %get3A_111 = tpu.vector_load %arg6[%get3A_110] {strides = array<i32>} : memref<10416xf32, #tpu.memory_space<vmem>>, vector<16xf32>,
    %get3A_112 = arith.constant 32 : index
    %get3A_113 = tpu.vector_load %arg6[%get3A_112] {strides = array<i32>} : memref<10416xf32, #tpu.memory_space<vmem>>, vector<16xf32>,
    %get3A_114 = arith.constant 48 : index
    %get3A_115 = tpu.vector_load %arg6[%get3A_114] {strides = array<i32>} : memref<10416xf32, #tpu.memory_space<vmem>>, vector<16xf32>,
    %get3A_116 = arith.constant 64 : index
    %get3A_117 = tpu.vector_load %arg6[%get3A_116] {strides = array<i32>} : memref<10416xf32, #tpu.memory_space<vmem>>, vector<16xf32>,
    %get3A_118 = arith.constant 80 : index
    %get3A_119 = tpu.vector_load %arg6[%get3A_118] {strides = array<i32>} : memref<10416xf32, #tpu.memory_space<vmem>>, vector<16xf32>,
    %get3A_120 = arith.constant 96 : index
    %get3A_121 = tpu.vector_load %arg6[%get3A_120] {strides = array<i32>} : memref<10416xf32, #tpu.memory_space<vmem>>, vector<16xf32>,
    %get3A_122 = arith.constant 0 : index
    %get3A_123 = tpu.vector_load %arg7[%get3A_122] {strides = array<i32>} : memref<10416xf32, #tpu.memory_space<vmem>>, vector<16xf32>,
    %get3A_124 = arith.constant 16 : index
    %get3A_125 = tpu.vector_load %arg7[%get3A_124] {strides = array<i32>} : memref<10416xf32, #tpu.memory_space<vmem>>, vector<16xf32>,
    %get3A_126 = arith.constant 32 : index
    %get3A_127 = tpu.vector_load %arg7[%get3A_126] {strides = array<i32>} : memref<10416xf32, #tpu.memory_space<vmem>>, vector<16xf32>,
    %get3A_128 = arith.constant 48 : index
    %get3A_129 = tpu.vector_load %arg7[%get3A_128] {strides = array<i32>} : memref<10416xf32, #tpu.memory_space<vmem>>, vector<16xf32>,
    %get3A_130 = arith.constant 64 : index
    %get3A_131 = tpu.vector_load %arg7[%get3A_130] {strides = array<i32>} : memref<10416xf32, #tpu.memory_space<vmem>>, vector<16xf32>,
    %get3A_132 = arith.constant 80 : index
    %get3A_133 = tpu.vector_load %arg7[%get3A_132] {strides = array<i32>} : memref<10416xf32, #tpu.memory_space<vmem>>, vector<16xf32>,
    %get3A_134 = arith.constant 96 : index
    %get3A_135 = tpu.vector_load %arg7[%get3A_134] {strides = array<i32>} : memref<10416xf32, #tpu.memory_space<vmem>>, vector<16xf32>,
    %mul3A_136 = arith.constant 16 : i32
    %mul3A_137 = vector.broadcast %mul3A_136 : i32 to vector<16xi32>
    %mul3A_138 = arith.muli %get3A_95, %mul3A_137 : vector<16xi32>
    %add3A_139 = arith.addi %mul3A_138, %iota3A : vector<16xi32>
    %mul3A_140 = arith.constant 16 : i32
    %mul3A_141 = vector.broadcast %mul3A_140 : i32 to vector<16xi32>
    %mul3A_142 = arith.muli %get3A_97, %mul3A_141 : vector<16xi32>
    %add3A_143 = arith.addi %mul3A_142, %iota3A : vector<16xi32>
    %mul3A_144 = arith.constant 16 : i32
    %mul3A_145 = vector.broadcast %mul3A_144 : i32 to vector<16xi32>
    %mul3A_146 = arith.muli %get3A_99, %mul3A_145 : vector<16xi32>
    %add3A_147 = arith.addi %mul3A_146, %iota3A : vector<16xi32>
    %mul3A_148 = arith.constant 16 : i32
    %mul3A_149 = vector.broadcast %mul3A_148 : i32 to vector<16xi32>
    %mul3A_150 = arith.muli %get3A_101, %mul3A_149 : vector<16xi32>
    %add3A_151 = arith.addi %mul3A_150, %iota3A : vector<16xi32>
    %mul3A_152 = arith.constant 16 : i32
    %mul3A_153 = vector.broadcast %mul3A_152 : i32 to vector<16xi32>
    %mul3A_154 = arith.muli %get3A_103, %mul3A_153 : vector<16xi32>
    %add3A_155 = arith.addi %mul3A_154, %iota3A : vector<16xi32>
    %mul3A_156 = arith.constant 16 : i32
    %mul3A_157 = vector.broadcast %mul3A_156 : i32 to vector<16xi32>
    %mul3A_158 = arith.muli %get3A_105, %mul3A_157 : vector<16xi32>
    %add3A_159 = arith.addi %mul3A_158, %iota3A : vector<16xi32>
    %mul3A_160 = arith.constant 16 : i32
    %mul3A_161 = vector.broadcast %mul3A_160 : i32 to vector<16xi32>
    %mul3A_162 = arith.muli %get3A_107, %mul3A_161 : vector<16xi32>
    %add3A_163 = arith.addi %mul3A_162, %iota3A : vector<16xi32>
    %sub3A = arith.subf %get3A_109, %get3A_123 : vector<16xf32>
    %sub3A_164 = arith.subf %get3A_111, %get3A_125 : vector<16xf32>
    %sub3A_165 = arith.subf %get3A_113, %get3A_127 : vector<16xf32>
    %sub3A_166 = arith.subf %get3A_115, %get3A_129 : vector<16xf32>
    %sub3A_167 = arith.subf %get3A_117, %get3A_131 : vector<16xf32>
    %sub3A_168 = arith.subf %get3A_119, %get3A_133 : vector<16xf32>
    %sub3A_169 = arith.subf %get3A_121, %get3A_135 : vector<16xf32>
    %scan3A = arith.constant 0 : i32
    %scan3A_170 = arith.constant 92 : i32
    %scan3A_171 = arith.addi %scan3A, %scan3A_170 : i32
    %scan3A_172 = arith.constant 1 : i32
    %scan3A_173:14 = scf.for %scan3A_428 = %scan3A to %scan3A_171 step %scan3A_172 iter_args(%scan3A_429 = %add3A_139, %scan3A_430 = %add3A_143, %scan3A_431 = %add3A_147, %scan3A_432 = %add3A_151, %scan3A_433 = %add3A_155, %scan3A_434 = %add3A_159, %scan3A_435 = %add3A_163, %scan3A_436 = %sub3A, %scan3A_437 = %sub3A_164, %scan3A_438 = %sub3A_165, %scan3A_439 = %sub3A_166, %scan3A_440 = %sub3A_167, %scan3A_441 = %sub3A_168, %scan3A_442 = %sub3A_169) -> (vector<16xi32>, vector<16xi32>, vector<16xi32>, vector<16xi32>, vector<16xi32>, vector<16xi32>, vector<16xi32>, vector<16xf32>, vector<16xf32>, vector<16xf32>, vector<16xf32>, vector<16xf32>, vector<16xf32>, vector<16xf32>)  : i32 {
      %add3A_443 = arith.constant 1 : i32
      %add3A_444 = arith.addi %scan3A_428, %add3A_443 : i32
      %mul3A_445 = arith.constant 7 : i32
      %mul3A_446 = arith.muli %add3A_444, %mul3A_445 : i32
      %add3A_447 = arith.constant 0 : i32
      %add3A_448 = arith.addi %mul3A_446, %add3A_447 : i32
      %mul3A_449 = arith.constant 16 : i32
      %mul3A_450 = arith.muli %add3A_448, %mul3A_449 : i32
      %get3A_451 = arith.index_cast %mul3A_450 : i32 to index
      %get3A_452 = tpu.vector_load %arg8[%get3A_451] {strides = array<i32>} : memref<10416xi32, #tpu.memory_space<vmem>>, vector<16xi32>,
      %mul3A_453 = arith.constant 7 : i32
      %mul3A_454 = arith.muli %add3A_444, %mul3A_453 : i32
      %add3A_455 = arith.constant 1 : i32
      %add3A_456 = arith.addi %mul3A_454, %add3A_455 : i32
      %mul3A_457 = arith.constant 16 : i32
      %mul3A_458 = arith.muli %add3A_456, %mul3A_457 : i32
      %get3A_459 = arith.index_cast %mul3A_458 : i32 to index
      %get3A_460 = tpu.vector_load %arg8[%get3A_459] {strides = array<i32>} : memref<10416xi32, #tpu.memory_space<vmem>>, vector<16xi32>,
      %mul3A_461 = arith.constant 7 : i32
      %mul3A_462 = arith.muli %add3A_444, %mul3A_461 : i32
      %add3A_463 = arith.constant 2 : i32
      %add3A_464 = arith.addi %mul3A_462, %add3A_463 : i32
      %mul3A_465 = arith.constant 16 : i32
      %mul3A_466 = arith.muli %add3A_464, %mul3A_465 : i32
      %get3A_467 = arith.index_cast %mul3A_466 : i32 to index
      %get3A_468 = tpu.vector_load %arg8[%get3A_467] {strides = array<i32>} : memref<10416xi32, #tpu.memory_space<vmem>>, vector<16xi32>,
      %mul3A_469 = arith.constant 7 : i32
      %mul3A_470 = arith.muli %add3A_444, %mul3A_469 : i32
      %add3A_471 = arith.constant 3 : i32
      %add3A_472 = arith.addi %mul3A_470, %add3A_471 : i32
      %mul3A_473 = arith.constant 16 : i32
      %mul3A_474 = arith.muli %add3A_472, %mul3A_473 : i32
      %get3A_475 = arith.index_cast %mul3A_474 : i32 to index
      %get3A_476 = tpu.vector_load %arg8[%get3A_475] {strides = array<i32>} : memref<10416xi32, #tpu.memory_space<vmem>>, vector<16xi32>,
      %mul3A_477 = arith.constant 7 : i32
      %mul3A_478 = arith.muli %add3A_444, %mul3A_477 : i32
      %add3A_479 = arith.constant 4 : i32
      %add3A_480 = arith.addi %mul3A_478, %add3A_479 : i32
      %mul3A_481 = arith.constant 16 : i32
      %mul3A_482 = arith.muli %add3A_480, %mul3A_481 : i32
      %get3A_483 = arith.index_cast %mul3A_482 : i32 to index
      %get3A_484 = tpu.vector_load %arg8[%get3A_483] {strides = array<i32>} : memref<10416xi32, #tpu.memory_space<vmem>>, vector<16xi32>,
      %mul3A_485 = arith.constant 7 : i32
      %mul3A_486 = arith.muli %add3A_444, %mul3A_485 : i32
      %add3A_487 = arith.constant 5 : i32
      %add3A_488 = arith.addi %mul3A_486, %add3A_487 : i32
      %mul3A_489 = arith.constant 16 : i32
      %mul3A_490 = arith.muli %add3A_488, %mul3A_489 : i32
      %get3A_491 = arith.index_cast %mul3A_490 : i32 to index
      %get3A_492 = tpu.vector_load %arg8[%get3A_491] {strides = array<i32>} : memref<10416xi32, #tpu.memory_space<vmem>>, vector<16xi32>,
      %mul3A_493 = arith.constant 7 : i32
      %mul3A_494 = arith.muli %add3A_444, %mul3A_493 : i32
      %add3A_495 = arith.constant 6 : i32
      %add3A_496 = arith.addi %mul3A_494, %add3A_495 : i32
      %mul3A_497 = arith.constant 16 : i32
      %mul3A_498 = arith.muli %add3A_496, %mul3A_497 : i32
      %get3A_499 = arith.index_cast %mul3A_498 : i32 to index
      %get3A_500 = tpu.vector_load %arg8[%get3A_499] {strides = array<i32>} : memref<10416xi32, #tpu.memory_space<vmem>>, vector<16xi32>,
      %mul3A_501 = arith.constant 7 : i32
      %mul3A_502 = arith.muli %add3A_444, %mul3A_501 : i32
      %add3A_503 = arith.constant 0 : i32
      %add3A_504 = arith.addi %mul3A_502, %add3A_503 : i32
      %mul3A_505 = arith.constant 16 : i32
      %mul3A_506 = arith.muli %add3A_504, %mul3A_505 : i32
      %get3A_507 = arith.index_cast %mul3A_506 : i32 to index
      %get3A_508 = tpu.vector_load %arg6[%get3A_507] {strides = array<i32>} : memref<10416xf32, #tpu.memory_space<vmem>>, vector<16xf32>,
      %mul3A_509 = arith.constant 7 : i32
      %mul3A_510 = arith.muli %add3A_444, %mul3A_509 : i32
      %add3A_511 = arith.constant 1 : i32
      %add3A_512 = arith.addi %mul3A_510, %add3A_511 : i32
      %mul3A_513 = arith.constant 16 : i32
      %mul3A_514 = arith.muli %add3A_512, %mul3A_513 : i32
      %get3A_515 = arith.index_cast %mul3A_514 : i32 to index
      %get3A_516 = tpu.vector_load %arg6[%get3A_515] {strides = array<i32>} : memref<10416xf32, #tpu.memory_space<vmem>>, vector<16xf32>,
      %mul3A_517 = arith.constant 7 : i32
      %mul3A_518 = arith.muli %add3A_444, %mul3A_517 : i32
      %add3A_519 = arith.constant 2 : i32
      %add3A_520 = arith.addi %mul3A_518, %add3A_519 : i32
      %mul3A_521 = arith.constant 16 : i32
      %mul3A_522 = arith.muli %add3A_520, %mul3A_521 : i32
      %get3A_523 = arith.index_cast %mul3A_522 : i32 to index
      %get3A_524 = tpu.vector_load %arg6[%get3A_523] {strides = array<i32>} : memref<10416xf32, #tpu.memory_space<vmem>>, vector<16xf32>,
      %mul3A_525 = arith.constant 7 : i32
      %mul3A_526 = arith.muli %add3A_444, %mul3A_525 : i32
      %add3A_527 = arith.constant 3 : i32
      %add3A_528 = arith.addi %mul3A_526, %add3A_527 : i32
      %mul3A_529 = arith.constant 16 : i32
      %mul3A_530 = arith.muli %add3A_528, %mul3A_529 : i32
      %get3A_531 = arith.index_cast %mul3A_530 : i32 to index
      %get3A_532 = tpu.vector_load %arg6[%get3A_531] {strides = array<i32>} : memref<10416xf32, #tpu.memory_space<vmem>>, vector<16xf32>,
      %mul3A_533 = arith.constant 7 : i32
      %mul3A_534 = arith.muli %add3A_444, %mul3A_533 : i32
      %add3A_535 = arith.constant 4 : i32
      %add3A_536 = arith.addi %mul3A_534, %add3A_535 : i32
      %mul3A_537 = arith.constant 16 : i32
      %mul3A_538 = arith.muli %add3A_536, %mul3A_537 : i32
      %get3A_539 = arith.index_cast %mul3A_538 : i32 to index
      %get3A_540 = tpu.vector_load %arg6[%get3A_539] {strides = array<i32>} : memref<10416xf32, #tpu.memory_space<vmem>>, vector<16xf32>,
      %mul3A_541 = arith.constant 7 : i32
      %mul3A_542 = arith.muli %add3A_444, %mul3A_541 : i32
      %add3A_543 = arith.constant 5 : i32
      %add3A_544 = arith.addi %mul3A_542, %add3A_543 : i32
      %mul3A_545 = arith.constant 16 : i32
      %mul3A_546 = arith.muli %add3A_544, %mul3A_545 : i32
      %get3A_547 = arith.index_cast %mul3A_546 : i32 to index
      %get3A_548 = tpu.vector_load %arg6[%get3A_547] {strides = array<i32>} : memref<10416xf32, #tpu.memory_space<vmem>>, vector<16xf32>,
      %mul3A_549 = arith.constant 7 : i32
      %mul3A_550 = arith.muli %add3A_444, %mul3A_549 : i32
      %add3A_551 = arith.constant 6 : i32
      %add3A_552 = arith.addi %mul3A_550, %add3A_551 : i32
      %mul3A_553 = arith.constant 16 : i32
      %mul3A_554 = arith.muli %add3A_552, %mul3A_553 : i32
      %get3A_555 = arith.index_cast %mul3A_554 : i32 to index
      %get3A_556 = tpu.vector_load %arg6[%get3A_555] {strides = array<i32>} : memref<10416xf32, #tpu.memory_space<vmem>>, vector<16xf32>,
      %mul3A_557 = arith.constant 7 : i32
      %mul3A_558 = arith.muli %add3A_444, %mul3A_557 : i32
      %add3A_559 = arith.constant 0 : i32
      %add3A_560 = arith.addi %mul3A_558, %add3A_559 : i32
      %mul3A_561 = arith.constant 16 : i32
      %mul3A_562 = arith.muli %add3A_560, %mul3A_561 : i32
      %get3A_563 = arith.index_cast %mul3A_562 : i32 to index
      %get3A_564 = tpu.vector_load %arg7[%get3A_563] {strides = array<i32>} : memref<10416xf32, #tpu.memory_space<vmem>>, vector<16xf32>,
      %mul3A_565 = arith.constant 7 : i32
      %mul3A_566 = arith.muli %add3A_444, %mul3A_565 : i32
      %add3A_567 = arith.constant 1 : i32
      %add3A_568 = arith.addi %mul3A_566, %add3A_567 : i32
      %mul3A_569 = arith.constant 16 : i32
      %mul3A_570 = arith.muli %add3A_568, %mul3A_569 : i32
      %get3A_571 = arith.index_cast %mul3A_570 : i32 to index
      %get3A_572 = tpu.vector_load %arg7[%get3A_571] {strides = array<i32>} : memref<10416xf32, #tpu.memory_space<vmem>>, vector<16xf32>,
      %mul3A_573 = arith.constant 7 : i32
      %mul3A_574 = arith.muli %add3A_444, %mul3A_573 : i32
      %add3A_575 = arith.constant 2 : i32
      %add3A_576 = arith.addi %mul3A_574, %add3A_575 : i32
      %mul3A_577 = arith.constant 16 : i32
      %mul3A_578 = arith.muli %add3A_576, %mul3A_577 : i32
      %get3A_579 = arith.index_cast %mul3A_578 : i32 to index
      %get3A_580 = tpu.vector_load %arg7[%get3A_579] {strides = array<i32>} : memref<10416xf32, #tpu.memory_space<vmem>>, vector<16xf32>,
      %mul3A_581 = arith.constant 7 : i32
      %mul3A_582 = arith.muli %add3A_444, %mul3A_581 : i32
      %add3A_583 = arith.constant 3 : i32
      %add3A_584 = arith.addi %mul3A_582, %add3A_583 : i32
      %mul3A_585 = arith.constant 16 : i32
      %mul3A_586 = arith.muli %add3A_584, %mul3A_585 : i32
      %get3A_587 = arith.index_cast %mul3A_586 : i32 to index
      %get3A_588 = tpu.vector_load %arg7[%get3A_587] {strides = array<i32>} : memref<10416xf32, #tpu.memory_space<vmem>>, vector<16xf32>,
      %mul3A_589 = arith.constant 7 : i32
      %mul3A_590 = arith.muli %add3A_444, %mul3A_589 : i32
      %add3A_591 = arith.constant 4 : i32
      %add3A_592 = arith.addi %mul3A_590, %add3A_591 : i32
      %mul3A_593 = arith.constant 16 : i32
      %mul3A_594 = arith.muli %add3A_592, %mul3A_593 : i32
      %get3A_595 = arith.index_cast %mul3A_594 : i32 to index
      %get3A_596 = tpu.vector_load %arg7[%get3A_595] {strides = array<i32>} : memref<10416xf32, #tpu.memory_space<vmem>>, vector<16xf32>,
      %mul3A_597 = arith.constant 7 : i32
      %mul3A_598 = arith.muli %add3A_444, %mul3A_597 : i32
      %add3A_599 = arith.constant 5 : i32
      %add3A_600 = arith.addi %mul3A_598, %add3A_599 : i32
      %mul3A_601 = arith.constant 16 : i32
      %mul3A_602 = arith.muli %add3A_600, %mul3A_601 : i32
      %get3A_603 = arith.index_cast %mul3A_602 : i32 to index
      %get3A_604 = tpu.vector_load %arg7[%get3A_603] {strides = array<i32>} : memref<10416xf32, #tpu.memory_space<vmem>>, vector<16xf32>,
      %mul3A_605 = arith.constant 7 : i32
      %mul3A_606 = arith.muli %add3A_444, %mul3A_605 : i32
      %add3A_607 = arith.constant 6 : i32
      %add3A_608 = arith.addi %mul3A_606, %add3A_607 : i32
      %mul3A_609 = arith.constant 16 : i32
      %mul3A_610 = arith.muli %add3A_608, %mul3A_609 : i32
      %get3A_611 = arith.index_cast %mul3A_610 : i32 to index
      %get3A_612 = tpu.vector_load %arg7[%get3A_611] {strides = array<i32>} : memref<10416xf32, #tpu.memory_space<vmem>>, vector<16xf32>,
      %mul3A_613 = arith.constant 16 : i32
      %mul3A_614 = vector.broadcast %mul3A_613 : i32 to vector<16xi32>
      %mul3A_615 = arith.muli %get3A_452, %mul3A_614 : vector<16xi32>
      %add3A_616 = arith.addi %mul3A_615, %iota3A : vector<16xi32>
      %mul3A_617 = arith.constant 16 : i32
      %mul3A_618 = vector.broadcast %mul3A_617 : i32 to vector<16xi32>
      %mul3A_619 = arith.muli %get3A_460, %mul3A_618 : vector<16xi32>
      %add3A_620 = arith.addi %mul3A_619, %iota3A : vector<16xi32>
      %mul3A_621 = arith.constant 16 : i32
      %mul3A_622 = vector.broadcast %mul3A_621 : i32 to vector<16xi32>
      %mul3A_623 = arith.muli %get3A_468, %mul3A_622 : vector<16xi32>
      %add3A_624 = arith.addi %mul3A_623, %iota3A : vector<16xi32>
      %mul3A_625 = arith.constant 16 : i32
      %mul3A_626 = vector.broadcast %mul3A_625 : i32 to vector<16xi32>
      %mul3A_627 = arith.muli %get3A_476, %mul3A_626 : vector<16xi32>
      %add3A_628 = arith.addi %mul3A_627, %iota3A : vector<16xi32>
      %mul3A_629 = arith.constant 16 : i32
      %mul3A_630 = vector.broadcast %mul3A_629 : i32 to vector<16xi32>
      %mul3A_631 = arith.muli %get3A_484, %mul3A_630 : vector<16xi32>
      %add3A_632 = arith.addi %mul3A_631, %iota3A : vector<16xi32>
      %mul3A_633 = arith.constant 16 : i32
      %mul3A_634 = vector.broadcast %mul3A_633 : i32 to vector<16xi32>
      %mul3A_635 = arith.muli %get3A_492, %mul3A_634 : vector<16xi32>
      %add3A_636 = arith.addi %mul3A_635, %iota3A : vector<16xi32>
      %mul3A_637 = arith.constant 16 : i32
      %mul3A_638 = vector.broadcast %mul3A_637 : i32 to vector<16xi32>
      %mul3A_639 = arith.muli %get3A_500, %mul3A_638 : vector<16xi32>
      %add3A_640 = arith.addi %mul3A_639, %iota3A : vector<16xi32>
      %sub3A_641 = arith.subf %get3A_508, %get3A_564 : vector<16xf32>
      %sub3A_642 = arith.subf %get3A_516, %get3A_572 : vector<16xf32>
      %sub3A_643 = arith.subf %get3A_524, %get3A_580 : vector<16xf32>
      %sub3A_644 = arith.subf %get3A_532, %get3A_588 : vector<16xf32>
      %sub3A_645 = arith.subf %get3A_540, %get3A_596 : vector<16xf32>
      %sub3A_646 = arith.subf %get3A_548, %get3A_604 : vector<16xf32>
      %sub3A_647 = arith.subf %get3A_556, %get3A_612 : vector<16xf32>
      tpu.vector_store_idx %arg14[%scan3A_429], %scan3A_436 {add = true} : memref<512xf32, #tpu.memory_space<vmem>>[vector<16xi32>], vector<16xf32>,
      %add3A_648 = arith.constant 256 : i32
      %add3A_649 = vector.broadcast %add3A_648 : i32 to vector<16xi32>
      %add3A_650 = arith.addi %scan3A_429, %add3A_649 : vector<16xi32>
      tpu.vector_store_idx %arg14[%add3A_650], %broadcast_in_dim3A_7 {add = true} : memref<512xf32, #tpu.memory_space<vmem>>[vector<16xi32>], vector<16xf32>,
      tpu.vector_store_idx %arg14[%scan3A_430], %scan3A_437 {add = true} : memref<512xf32, #tpu.memory_space<vmem>>[vector<16xi32>], vector<16xf32>,
      %add3A_651 = arith.constant 256 : i32
      %add3A_652 = vector.broadcast %add3A_651 : i32 to vector<16xi32>
      %add3A_653 = arith.addi %scan3A_430, %add3A_652 : vector<16xi32>
      tpu.vector_store_idx %arg14[%add3A_653], %broadcast_in_dim3A_7 {add = true} : memref<512xf32, #tpu.memory_space<vmem>>[vector<16xi32>], vector<16xf32>,
      tpu.vector_store_idx %arg14[%scan3A_431], %scan3A_438 {add = true} : memref<512xf32, #tpu.memory_space<vmem>>[vector<16xi32>], vector<16xf32>,
      %add3A_654 = arith.constant 256 : i32
      %add3A_655 = vector.broadcast %add3A_654 : i32 to vector<16xi32>
      %add3A_656 = arith.addi %scan3A_431, %add3A_655 : vector<16xi32>
      tpu.vector_store_idx %arg14[%add3A_656], %broadcast_in_dim3A_7 {add = true} : memref<512xf32, #tpu.memory_space<vmem>>[vector<16xi32>], vector<16xf32>,
      tpu.vector_store_idx %arg14[%scan3A_432], %scan3A_439 {add = true} : memref<512xf32, #tpu.memory_space<vmem>>[vector<16xi32>], vector<16xf32>,
      %add3A_657 = arith.constant 256 : i32
      %add3A_658 = vector.broadcast %add3A_657 : i32 to vector<16xi32>
      %add3A_659 = arith.addi %scan3A_432, %add3A_658 : vector<16xi32>
      tpu.vector_store_idx %arg14[%add3A_659], %broadcast_in_dim3A_7 {add = true} : memref<512xf32, #tpu.memory_space<vmem>>[vector<16xi32>], vector<16xf32>,
      tpu.vector_store_idx %arg14[%scan3A_433], %scan3A_440 {add = true} : memref<512xf32, #tpu.memory_space<vmem>>[vector<16xi32>], vector<16xf32>,
      %add3A_660 = arith.constant 256 : i32
      %add3A_661 = vector.broadcast %add3A_660 : i32 to vector<16xi32>
      %add3A_662 = arith.addi %scan3A_433, %add3A_661 : vector<16xi32>
      tpu.vector_store_idx %arg14[%add3A_662], %broadcast_in_dim3A_7 {add = true} : memref<512xf32, #tpu.memory_space<vmem>>[vector<16xi32>], vector<16xf32>,
      tpu.vector_store_idx %arg14[%scan3A_434], %scan3A_441 {add = true} : memref<512xf32, #tpu.memory_space<vmem>>[vector<16xi32>], vector<16xf32>,
      %add3A_663 = arith.constant 256 : i32
      %add3A_664 = vector.broadcast %add3A_663 : i32 to vector<16xi32>
      %add3A_665 = arith.addi %scan3A_434, %add3A_664 : vector<16xi32>
      tpu.vector_store_idx %arg14[%add3A_665], %broadcast_in_dim3A_7 {add = true} : memref<512xf32, #tpu.memory_space<vmem>>[vector<16xi32>], vector<16xf32>,
      tpu.vector_store_idx %arg14[%scan3A_435], %scan3A_442 {add = true} : memref<512xf32, #tpu.memory_space<vmem>>[vector<16xi32>], vector<16xf32>,
      %add3A_666 = arith.constant 256 : i32
      %add3A_667 = vector.broadcast %add3A_666 : i32 to vector<16xi32>
      %add3A_668 = arith.addi %scan3A_435, %add3A_667 : vector<16xi32>
      tpu.vector_store_idx %arg14[%add3A_668], %broadcast_in_dim3A_7 {add = true} : memref<512xf32, #tpu.memory_space<vmem>>[vector<16xi32>], vector<16xf32>,
      scf.yield %add3A_616, %add3A_620, %add3A_624, %add3A_628, %add3A_632, %add3A_636, %add3A_640, %sub3A_641, %sub3A_642, %sub3A_643, %sub3A_644, %sub3A_645, %sub3A_646, %sub3A_647 : vector<16xi32>, vector<16xi32>, vector<16xi32>, vector<16xi32>, vector<16xi32>, vector<16xi32>, vector<16xi32>, vector<16xf32>, vector<16xf32>, vector<16xf32>, vector<16xf32>, vector<16xf32>, vector<16xf32>, vector<16xf32>
    }
    %scan3A_174 = arith.constant 92 : i32
    tpu.vector_store_idx %arg14[%scan3A_173#0], %scan3A_173#7 {add = true} : memref<512xf32, #tpu.memory_space<vmem>>[vector<16xi32>], vector<16xf32>,
    %add3A_175 = arith.constant 256 : i32
    %add3A_176 = vector.broadcast %add3A_175 : i32 to vector<16xi32>
    %add3A_177 = arith.addi %scan3A_173#0, %add3A_176 : vector<16xi32>
    tpu.vector_store_idx %arg14[%add3A_177], %broadcast_in_dim3A_7 {add = true} : memref<512xf32, #tpu.memory_space<vmem>>[vector<16xi32>], vector<16xf32>,
    tpu.vector_store_idx %arg14[%scan3A_173#1], %scan3A_173#8 {add = true} : memref<512xf32, #tpu.memory_space<vmem>>[vector<16xi32>], vector<16xf32>,
    %add3A_178 = arith.constant 256 : i32
    %add3A_179 = vector.broadcast %add3A_178 : i32 to vector<16xi32>
    %add3A_180 = arith.addi %scan3A_173#1, %add3A_179 : vector<16xi32>
    tpu.vector_store_idx %arg14[%add3A_180], %broadcast_in_dim3A_7 {add = true} : memref<512xf32, #tpu.memory_space<vmem>>[vector<16xi32>], vector<16xf32>,
    tpu.vector_store_idx %arg14[%scan3A_173#2], %scan3A_173#9 {add = true} : memref<512xf32, #tpu.memory_space<vmem>>[vector<16xi32>], vector<16xf32>,
    %add3A_181 = arith.constant 256 : i32
    %add3A_182 = vector.broadcast %add3A_181 : i32 to vector<16xi32>
    %add3A_183 = arith.addi %scan3A_173#2, %add3A_182 : vector<16xi32>
    tpu.vector_store_idx %arg14[%add3A_183], %broadcast_in_dim3A_7 {add = true} : memref<512xf32, #tpu.memory_space<vmem>>[vector<16xi32>], vector<16xf32>,
    tpu.vector_store_idx %arg14[%scan3A_173#3], %scan3A_173#10 {add = true} : memref<512xf32, #tpu.memory_space<vmem>>[vector<16xi32>], vector<16xf32>,
    %add3A_184 = arith.constant 256 : i32
    %add3A_185 = vector.broadcast %add3A_184 : i32 to vector<16xi32>
    %add3A_186 = arith.addi %scan3A_173#3, %add3A_185 : vector<16xi32>
    tpu.vector_store_idx %arg14[%add3A_186], %broadcast_in_dim3A_7 {add = true} : memref<512xf32, #tpu.memory_space<vmem>>[vector<16xi32>], vector<16xf32>,
    tpu.vector_store_idx %arg14[%scan3A_173#4], %scan3A_173#11 {add = true} : memref<512xf32, #tpu.memory_space<vmem>>[vector<16xi32>], vector<16xf32>,
    %add3A_187 = arith.constant 256 : i32
    %add3A_188 = vector.broadcast %add3A_187 : i32 to vector<16xi32>
    %add3A_189 = arith.addi %scan3A_173#4, %add3A_188 : vector<16xi32>
    tpu.vector_store_idx %arg14[%add3A_189], %broadcast_in_dim3A_7 {add = true} : memref<512xf32, #tpu.memory_space<vmem>>[vector<16xi32>], vector<16xf32>,
    tpu.vector_store_idx %arg14[%scan3A_173#5], %scan3A_173#12 {add = true} : memref<512xf32, #tpu.memory_space<vmem>>[vector<16xi32>], vector<16xf32>,
    %add3A_190 = arith.constant 256 : i32
    %add3A_191 = vector.broadcast %add3A_190 : i32 to vector<16xi32>
    %add3A_192 = arith.addi %scan3A_173#5, %add3A_191 : vector<16xi32>
    tpu.vector_store_idx %arg14[%add3A_192], %broadcast_in_dim3A_7 {add = true} : memref<512xf32, #tpu.memory_space<vmem>>[vector<16xi32>], vector<16xf32>,
    tpu.vector_store_idx %arg14[%scan3A_173#6], %scan3A_173#13 {add = true} : memref<512xf32, #tpu.memory_space<vmem>>[vector<16xi32>], vector<16xf32>,
    %add3A_193 = arith.constant 256 : i32
    %add3A_194 = vector.broadcast %add3A_193 : i32 to vector<16xi32>
    %add3A_195 = arith.addi %scan3A_173#6, %add3A_194 : vector<16xi32>
    tpu.vector_store_idx %arg14[%add3A_195], %broadcast_in_dim3A_7 {add = true} : memref<512xf32, #tpu.memory_space<vmem>>[vector<16xi32>], vector<16xf32>,
    %dma_wait3A_196 = tpu.memref_slice %arg2[%mul3A_88] : memref<1000000xf32, #tpu.memory_space<hbm>> -> memref<10416xf32, #tpu.memory_space<hbm>>
    %dma_wait3A_197 = tpu.memref_slice %arg2[%mul3A_88] : memref<1000000xf32, #tpu.memory_space<hbm>> -> memref<10416xf32, #tpu.memory_space<hbm>>
    tpu.wait_dma2 semaphore(%arg13 : memref<!tpu.dma_semaphore, #tpu.memory_space<semaphore_mem>>) src(%dma_wait3A_197 : memref<10416xf32, #tpu.memory_space<hbm>>) dst(%arg9 : memref<10416xf32, #tpu.memory_space<vmem>>)
    %dma_wait3A_198 = tpu.memref_slice %arg3[%mul3A_88] : memref<1000000xf32, #tpu.memory_space<hbm>> -> memref<10416xf32, #tpu.memory_space<hbm>>
    %dma_wait3A_199 = tpu.memref_slice %arg3[%mul3A_88] : memref<1000000xf32, #tpu.memory_space<hbm>> -> memref<10416xf32, #tpu.memory_space<hbm>>
    tpu.wait_dma2 semaphore(%arg13 : memref<!tpu.dma_semaphore, #tpu.memory_space<semaphore_mem>>) src(%dma_wait3A_199 : memref<10416xf32, #tpu.memory_space<hbm>>) dst(%arg10 : memref<10416xf32, #tpu.memory_space<vmem>>)
    %dma_wait3A_200 = tpu.memref_slice %arg4[%mul3A_88] : memref<1000000xi32, #tpu.memory_space<hbm>> -> memref<10416xi32, #tpu.memory_space<hbm>>
    %dma_wait3A_201 = tpu.memref_slice %arg4[%mul3A_88] : memref<1000000xi32, #tpu.memory_space<hbm>> -> memref<10416xi32, #tpu.memory_space<hbm>>
    tpu.wait_dma2 semaphore(%arg13 : memref<!tpu.dma_semaphore, #tpu.memory_space<semaphore_mem>>) src(%dma_wait3A_201 : memref<10416xi32, #tpu.memory_space<hbm>>) dst(%arg11 : memref<10416xi32, #tpu.memory_space<vmem>>)
    %add3A_202 = arith.constant 1302 : i32
    %add3A_203 = arith.addi %add3A_4, %add3A_202 : i32
    %mul3A_204 = arith.constant 16 : i32
    %mul3A_205 = arith.muli %add3A_203, %mul3A_204 : i32
    %dma_start3A_206 = tpu.memref_slice %arg2[%mul3A_205] : memref<1000000xf32, #tpu.memory_space<hbm>> -> memref<10416xf32, #tpu.memory_space<hbm>>
    %dma_start3A_207 = tpu.memref_slice %arg2[%mul3A_205] : memref<1000000xf32, #tpu.memory_space<hbm>> -> memref<10416xf32, #tpu.memory_space<hbm>>
    tpu.enqueue_dma source(%dma_start3A_207 : memref<10416xf32, #tpu.memory_space<hbm>>) target(%arg6 : memref<10416xf32, #tpu.memory_space<vmem>>) target_semaphore(%arg12 : memref<!tpu.dma_semaphore, #tpu.memory_space<semaphore_mem>>)
    %dma_start3A_208 = tpu.memref_slice %arg3[%mul3A_205] : memref<1000000xf32, #tpu.memory_space<hbm>> -> memref<10416xf32, #tpu.memory_space<hbm>>
    %dma_start3A_209 = tpu.memref_slice %arg3[%mul3A_205] : memref<1000000xf32, #tpu.memory_space<hbm>> -> memref<10416xf32, #tpu.memory_space<hbm>>
    tpu.enqueue_dma source(%dma_start3A_209 : memref<10416xf32, #tpu.memory_space<hbm>>) target(%arg7 : memref<10416xf32, #tpu.memory_space<vmem>>) target_semaphore(%arg12 : memref<!tpu.dma_semaphore, #tpu.memory_space<semaphore_mem>>)
    %dma_start3A_210 = tpu.memref_slice %arg4[%mul3A_205] : memref<1000000xi32, #tpu.memory_space<hbm>> -> memref<10416xi32, #tpu.memory_space<hbm>>
    %dma_start3A_211 = tpu.memref_slice %arg4[%mul3A_205] : memref<1000000xi32, #tpu.memory_space<hbm>> -> memref<10416xi32, #tpu.memory_space<hbm>>
    tpu.enqueue_dma source(%dma_start3A_211 : memref<10416xi32, #tpu.memory_space<hbm>>) target(%arg8 : memref<10416xi32, #tpu.memory_space<vmem>>) target_semaphore(%arg12 : memref<!tpu.dma_semaphore, #tpu.memory_space<semaphore_mem>>)
    %get3A_212 = arith.constant 0 : index
    %get3A_213 = tpu.vector_load %arg11[%get3A_212] {strides = array<i32>} : memref<10416xi32, #tpu.memory_space<vmem>>, vector<16xi32>,
    %get3A_214 = arith.constant 16 : index
    %get3A_215 = tpu.vector_load %arg11[%get3A_214] {strides = array<i32>} : memref<10416xi32, #tpu.memory_space<vmem>>, vector<16xi32>,
    %get3A_216 = arith.constant 32 : index
    %get3A_217 = tpu.vector_load %arg11[%get3A_216] {strides = array<i32>} : memref<10416xi32, #tpu.memory_space<vmem>>, vector<16xi32>,
    %get3A_218 = arith.constant 48 : index
    %get3A_219 = tpu.vector_load %arg11[%get3A_218] {strides = array<i32>} : memref<10416xi32, #tpu.memory_space<vmem>>, vector<16xi32>,
    %get3A_220 = arith.constant 64 : index
    %get3A_221 = tpu.vector_load %arg11[%get3A_220] {strides = array<i32>} : memref<10416xi32, #tpu.memory_space<vmem>>, vector<16xi32>,
    %get3A_222 = arith.constant 80 : index
    %get3A_223 = tpu.vector_load %arg11[%get3A_222] {strides = array<i32>} : memref<10416xi32, #tpu.memory_space<vmem>>, vector<16xi32>,
    %get3A_224 = arith.constant 96 : index
    %get3A_225 = tpu.vector_load %arg11[%get3A_224] {strides = array<i32>} : memref<10416xi32, #tpu.memory_space<vmem>>, vector<16xi32>,
    %get3A_226 = arith.constant 0 : index
    %get3A_227 = tpu.vector_load %arg9[%get3A_226] {strides = array<i32>} : memref<10416xf32, #tpu.memory_space<vmem>>, vector<16xf32>,
    %get3A_228 = arith.constant 16 : index
    %get3A_229 = tpu.vector_load %arg9[%get3A_228] {strides = array<i32>} : memref<10416xf32, #tpu.memory_space<vmem>>, vector<16xf32>,
    %get3A_230 = arith.constant 32 : index
    %get3A_231 = tpu.vector_load %arg9[%get3A_230] {strides = array<i32>} : memref<10416xf32, #tpu.memory_space<vmem>>, vector<16xf32>,
    %get3A_232 = arith.constant 48 : index
    %get3A_233 = tpu.vector_load %arg9[%get3A_232] {strides = array<i32>} : memref<10416xf32, #tpu.memory_space<vmem>>, vector<16xf32>,
    %get3A_234 = arith.constant 64 : index
    %get3A_235 = tpu.vector_load %arg9[%get3A_234] {strides = array<i32>} : memref<10416xf32, #tpu.memory_space<vmem>>, vector<16xf32>,
    %get3A_236 = arith.constant 80 : index
    %get3A_237 = tpu.vector_load %arg9[%get3A_236] {strides = array<i32>} : memref<10416xf32, #tpu.memory_space<vmem>>, vector<16xf32>,
    %get3A_238 = arith.constant 96 : index
    %get3A_239 = tpu.vector_load %arg9[%get3A_238] {strides = array<i32>} : memref<10416xf32, #tpu.memory_space<vmem>>, vector<16xf32>,
    %get3A_240 = arith.constant 0 : index
    %get3A_241 = tpu.vector_load %arg10[%get3A_240] {strides = array<i32>} : memref<10416xf32, #tpu.memory_space<vmem>>, vector<16xf32>,
    %get3A_242 = arith.constant 16 : index
    %get3A_243 = tpu.vector_load %arg10[%get3A_242] {strides = array<i32>} : memref<10416xf32, #tpu.memory_space<vmem>>, vector<16xf32>,
    %get3A_244 = arith.constant 32 : index
    %get3A_245 = tpu.vector_load %arg10[%get3A_244] {strides = array<i32>} : memref<10416xf32, #tpu.memory_space<vmem>>, vector<16xf32>,
    %get3A_246 = arith.constant 48 : index
    %get3A_247 = tpu.vector_load %arg10[%get3A_246] {strides = array<i32>} : memref<10416xf32, #tpu.memory_space<vmem>>, vector<16xf32>,
    %get3A_248 = arith.constant 64 : index
    %get3A_249 = tpu.vector_load %arg10[%get3A_248] {strides = array<i32>} : memref<10416xf32, #tpu.memory_space<vmem>>, vector<16xf32>,
    %get3A_250 = arith.constant 80 : index
    %get3A_251 = tpu.vector_load %arg10[%get3A_250] {strides = array<i32>} : memref<10416xf32, #tpu.memory_space<vmem>>, vector<16xf32>,
    %get3A_252 = arith.constant 96 : index
    %get3A_253 = tpu.vector_load %arg10[%get3A_252] {strides = array<i32>} : memref<10416xf32, #tpu.memory_space<vmem>>, vector<16xf32>,
    %mul3A_254 = arith.constant 16 : i32
    %mul3A_255 = vector.broadcast %mul3A_254 : i32 to vector<16xi32>
    %mul3A_256 = arith.muli %get3A_213, %mul3A_255 : vector<16xi32>
    %add3A_257 = arith.addi %mul3A_256, %iota3A : vector<16xi32>
    %mul3A_258 = arith.constant 16 : i32
    %mul3A_259 = vector.broadcast %mul3A_258 : i32 to vector<16xi32>
    %mul3A_260 = arith.muli %get3A_215, %mul3A_259 : vector<16xi32>
    %add3A_261 = arith.addi %mul3A_260, %iota3A : vector<16xi32>
    %mul3A_262 = arith.constant 16 : i32
    %mul3A_263 = vector.broadcast %mul3A_262 : i32 to vector<16xi32>
    %mul3A_264 = arith.muli %get3A_217, %mul3A_263 : vector<16xi32>
    %add3A_265 = arith.addi %mul3A_264, %iota3A : vector<16xi32>
    %mul3A_266 = arith.constant 16 : i32
    %mul3A_267 = vector.broadcast %mul3A_266 : i32 to vector<16xi32>
    %mul3A_268 = arith.muli %get3A_219, %mul3A_267 : vector<16xi32>
    %add3A_269 = arith.addi %mul3A_268, %iota3A : vector<16xi32>
    %mul3A_270 = arith.constant 16 : i32
    %mul3A_271 = vector.broadcast %mul3A_270 : i32 to vector<16xi32>
    %mul3A_272 = arith.muli %get3A_221, %mul3A_271 : vector<16xi32>
    %add3A_273 = arith.addi %mul3A_272, %iota3A : vector<16xi32>
    %mul3A_274 = arith.constant 16 : i32
    %mul3A_275 = vector.broadcast %mul3A_274 : i32 to vector<16xi32>
    %mul3A_276 = arith.muli %get3A_223, %mul3A_275 : vector<16xi32>
    %add3A_277 = arith.addi %mul3A_276, %iota3A : vector<16xi32>
    %mul3A_278 = arith.constant 16 : i32
    %mul3A_279 = vector.broadcast %mul3A_278 : i32 to vector<16xi32>
    %mul3A_280 = arith.muli %get3A_225, %mul3A_279 : vector<16xi32>
    %add3A_281 = arith.addi %mul3A_280, %iota3A : vector<16xi32>
    %sub3A_282 = arith.subf %get3A_227, %get3A_241 : vector<16xf32>
    %sub3A_283 = arith.subf %get3A_229, %get3A_243 : vector<16xf32>
    %sub3A_284 = arith.subf %get3A_231, %get3A_245 : vector<16xf32>
    %sub3A_285 = arith.subf %get3A_233, %get3A_247 : vector<16xf32>
    %sub3A_286 = arith.subf %get3A_235, %get3A_249 : vector<16xf32>
    %sub3A_287 = arith.subf %get3A_237, %get3A_251 : vector<16xf32>
    %sub3A_288 = arith.subf %get3A_239, %get3A_253 : vector<16xf32>
    %scan3A_289 = arith.constant 0 : i32
    %scan3A_290 = arith.constant 92 : i32
    %scan3A_291 = arith.addi %scan3A_289, %scan3A_290 : i32
    %scan3A_292 = arith.constant 1 : i32
    %scan3A_293:14 = scf.for %scan3A_428 = %scan3A_289 to %scan3A_291 step %scan3A_292 iter_args(%scan3A_429 = %add3A_257, %scan3A_430 = %add3A_261, %scan3A_431 = %add3A_265, %scan3A_432 = %add3A_269, %scan3A_433 = %add3A_273, %scan3A_434 = %add3A_277, %scan3A_435 = %add3A_281, %scan3A_436 = %sub3A_282, %scan3A_437 = %sub3A_283, %scan3A_438 = %sub3A_284, %scan3A_439 = %sub3A_285, %scan3A_440 = %sub3A_286, %scan3A_441 = %sub3A_287, %scan3A_442 = %sub3A_288) -> (vector<16xi32>, vector<16xi32>, vector<16xi32>, vector<16xi32>, vector<16xi32>, vector<16xi32>, vector<16xi32>, vector<16xf32>, vector<16xf32>, vector<16xf32>, vector<16xf32>, vector<16xf32>, vector<16xf32>, vector<16xf32>)  : i32 {
      %add3A_443 = arith.constant 1 : i32
      %add3A_444 = arith.addi %scan3A_428, %add3A_443 : i32
      %mul3A_445 = arith.constant 7 : i32
      %mul3A_446 = arith.muli %add3A_444, %mul3A_445 : i32
      %add3A_447 = arith.constant 0 : i32
      %add3A_448 = arith.addi %mul3A_446, %add3A_447 : i32
      %mul3A_449 = arith.constant 16 : i32
      %mul3A_450 = arith.muli %add3A_448, %mul3A_449 : i32
      %get3A_451 = arith.index_cast %mul3A_450 : i32 to index
      %get3A_452 = tpu.vector_load %arg11[%get3A_451] {strides = array<i32>} : memref<10416xi32, #tpu.memory_space<vmem>>, vector<16xi32>,
      %mul3A_453 = arith.constant 7 : i32
      %mul3A_454 = arith.muli %add3A_444, %mul3A_453 : i32
      %add3A_455 = arith.constant 1 : i32
      %add3A_456 = arith.addi %mul3A_454, %add3A_455 : i32
      %mul3A_457 = arith.constant 16 : i32
      %mul3A_458 = arith.muli %add3A_456, %mul3A_457 : i32
      %get3A_459 = arith.index_cast %mul3A_458 : i32 to index
      %get3A_460 = tpu.vector_load %arg11[%get3A_459] {strides = array<i32>} : memref<10416xi32, #tpu.memory_space<vmem>>, vector<16xi32>,
      %mul3A_461 = arith.constant 7 : i32
      %mul3A_462 = arith.muli %add3A_444, %mul3A_461 : i32
      %add3A_463 = arith.constant 2 : i32
      %add3A_464 = arith.addi %mul3A_462, %add3A_463 : i32
      %mul3A_465 = arith.constant 16 : i32
      %mul3A_466 = arith.muli %add3A_464, %mul3A_465 : i32
      %get3A_467 = arith.index_cast %mul3A_466 : i32 to index
      %get3A_468 = tpu.vector_load %arg11[%get3A_467] {strides = array<i32>} : memref<10416xi32, #tpu.memory_space<vmem>>, vector<16xi32>,
      %mul3A_469 = arith.constant 7 : i32
      %mul3A_470 = arith.muli %add3A_444, %mul3A_469 : i32
      %add3A_471 = arith.constant 3 : i32
      %add3A_472 = arith.addi %mul3A_470, %add3A_471 : i32
      %mul3A_473 = arith.constant 16 : i32
      %mul3A_474 = arith.muli %add3A_472, %mul3A_473 : i32
      %get3A_475 = arith.index_cast %mul3A_474 : i32 to index
      %get3A_476 = tpu.vector_load %arg11[%get3A_475] {strides = array<i32>} : memref<10416xi32, #tpu.memory_space<vmem>>, vector<16xi32>,
      %mul3A_477 = arith.constant 7 : i32
      %mul3A_478 = arith.muli %add3A_444, %mul3A_477 : i32
      %add3A_479 = arith.constant 4 : i32
      %add3A_480 = arith.addi %mul3A_478, %add3A_479 : i32
      %mul3A_481 = arith.constant 16 : i32
      %mul3A_482 = arith.muli %add3A_480, %mul3A_481 : i32
      %get3A_483 = arith.index_cast %mul3A_482 : i32 to index
      %get3A_484 = tpu.vector_load %arg11[%get3A_483] {strides = array<i32>} : memref<10416xi32, #tpu.memory_space<vmem>>, vector<16xi32>,
      %mul3A_485 = arith.constant 7 : i32
      %mul3A_486 = arith.muli %add3A_444, %mul3A_485 : i32
      %add3A_487 = arith.constant 5 : i32
      %add3A_488 = arith.addi %mul3A_486, %add3A_487 : i32
      %mul3A_489 = arith.constant 16 : i32
      %mul3A_490 = arith.muli %add3A_488, %mul3A_489 : i32
      %get3A_491 = arith.index_cast %mul3A_490 : i32 to index
      %get3A_492 = tpu.vector_load %arg11[%get3A_491] {strides = array<i32>} : memref<10416xi32, #tpu.memory_space<vmem>>, vector<16xi32>,
      %mul3A_493 = arith.constant 7 : i32
      %mul3A_494 = arith.muli %add3A_444, %mul3A_493 : i32
      %add3A_495 = arith.constant 6 : i32
      %add3A_496 = arith.addi %mul3A_494, %add3A_495 : i32
      %mul3A_497 = arith.constant 16 : i32
      %mul3A_498 = arith.muli %add3A_496, %mul3A_497 : i32
      %get3A_499 = arith.index_cast %mul3A_498 : i32 to index
      %get3A_500 = tpu.vector_load %arg11[%get3A_499] {strides = array<i32>} : memref<10416xi32, #tpu.memory_space<vmem>>, vector<16xi32>,
      %mul3A_501 = arith.constant 7 : i32
      %mul3A_502 = arith.muli %add3A_444, %mul3A_501 : i32
      %add3A_503 = arith.constant 0 : i32
      %add3A_504 = arith.addi %mul3A_502, %add3A_503 : i32
      %mul3A_505 = arith.constant 16 : i32
      %mul3A_506 = arith.muli %add3A_504, %mul3A_505 : i32
      %get3A_507 = arith.index_cast %mul3A_506 : i32 to index
      %get3A_508 = tpu.vector_load %arg9[%get3A_507] {strides = array<i32>} : memref<10416xf32, #tpu.memory_space<vmem>>, vector<16xf32>,
      %mul3A_509 = arith.constant 7 : i32
      %mul3A_510 = arith.muli %add3A_444, %mul3A_509 : i32
      %add3A_511 = arith.constant 1 : i32
      %add3A_512 = arith.addi %mul3A_510, %add3A_511 : i32
      %mul3A_513 = arith.constant 16 : i32
      %mul3A_514 = arith.muli %add3A_512, %mul3A_513 : i32
      %get3A_515 = arith.index_cast %mul3A_514 : i32 to index
      %get3A_516 = tpu.vector_load %arg9[%get3A_515] {strides = array<i32>} : memref<10416xf32, #tpu.memory_space<vmem>>, vector<16xf32>,
      %mul3A_517 = arith.constant 7 : i32
      %mul3A_518 = arith.muli %add3A_444, %mul3A_517 : i32
      %add3A_519 = arith.constant 2 : i32
      %add3A_520 = arith.addi %mul3A_518, %add3A_519 : i32
      %mul3A_521 = arith.constant 16 : i32
      %mul3A_522 = arith.muli %add3A_520, %mul3A_521 : i32
      %get3A_523 = arith.index_cast %mul3A_522 : i32 to index
      %get3A_524 = tpu.vector_load %arg9[%get3A_523] {strides = array<i32>} : memref<10416xf32, #tpu.memory_space<vmem>>, vector<16xf32>,
      %mul3A_525 = arith.constant 7 : i32
      %mul3A_526 = arith.muli %add3A_444, %mul3A_525 : i32
      %add3A_527 = arith.constant 3 : i32
      %add3A_528 = arith.addi %mul3A_526, %add3A_527 : i32
      %mul3A_529 = arith.constant 16 : i32
      %mul3A_530 = arith.muli %add3A_528, %mul3A_529 : i32
      %get3A_531 = arith.index_cast %mul3A_530 : i32 to index
      %get3A_532 = tpu.vector_load %arg9[%get3A_531] {strides = array<i32>} : memref<10416xf32, #tpu.memory_space<vmem>>, vector<16xf32>,
      %mul3A_533 = arith.constant 7 : i32
      %mul3A_534 = arith.muli %add3A_444, %mul3A_533 : i32
      %add3A_535 = arith.constant 4 : i32
      %add3A_536 = arith.addi %mul3A_534, %add3A_535 : i32
      %mul3A_537 = arith.constant 16 : i32
      %mul3A_538 = arith.muli %add3A_536, %mul3A_537 : i32
      %get3A_539 = arith.index_cast %mul3A_538 : i32 to index
      %get3A_540 = tpu.vector_load %arg9[%get3A_539] {strides = array<i32>} : memref<10416xf32, #tpu.memory_space<vmem>>, vector<16xf32>,
      %mul3A_541 = arith.constant 7 : i32
      %mul3A_542 = arith.muli %add3A_444, %mul3A_541 : i32
      %add3A_543 = arith.constant 5 : i32
      %add3A_544 = arith.addi %mul3A_542, %add3A_543 : i32
      %mul3A_545 = arith.constant 16 : i32
      %mul3A_546 = arith.muli %add3A_544, %mul3A_545 : i32
      %get3A_547 = arith.index_cast %mul3A_546 : i32 to index
      %get3A_548 = tpu.vector_load %arg9[%get3A_547] {strides = array<i32>} : memref<10416xf32, #tpu.memory_space<vmem>>, vector<16xf32>,
      %mul3A_549 = arith.constant 7 : i32
      %mul3A_550 = arith.muli %add3A_444, %mul3A_549 : i32
      %add3A_551 = arith.constant 6 : i32
      %add3A_552 = arith.addi %mul3A_550, %add3A_551 : i32
      %mul3A_553 = arith.constant 16 : i32
      %mul3A_554 = arith.muli %add3A_552, %mul3A_553 : i32
      %get3A_555 = arith.index_cast %mul3A_554 : i32 to index
      %get3A_556 = tpu.vector_load %arg9[%get3A_555] {strides = array<i32>} : memref<10416xf32, #tpu.memory_space<vmem>>, vector<16xf32>,
      %mul3A_557 = arith.constant 7 : i32
      %mul3A_558 = arith.muli %add3A_444, %mul3A_557 : i32
      %add3A_559 = arith.constant 0 : i32
      %add3A_560 = arith.addi %mul3A_558, %add3A_559 : i32
      %mul3A_561 = arith.constant 16 : i32
      %mul3A_562 = arith.muli %add3A_560, %mul3A_561 : i32
      %get3A_563 = arith.index_cast %mul3A_562 : i32 to index
      %get3A_564 = tpu.vector_load %arg10[%get3A_563] {strides = array<i32>} : memref<10416xf32, #tpu.memory_space<vmem>>, vector<16xf32>,
      %mul3A_565 = arith.constant 7 : i32
      %mul3A_566 = arith.muli %add3A_444, %mul3A_565 : i32
      %add3A_567 = arith.constant 1 : i32
      %add3A_568 = arith.addi %mul3A_566, %add3A_567 : i32
      %mul3A_569 = arith.constant 16 : i32
      %mul3A_570 = arith.muli %add3A_568, %mul3A_569 : i32
      %get3A_571 = arith.index_cast %mul3A_570 : i32 to index
      %get3A_572 = tpu.vector_load %arg10[%get3A_571] {strides = array<i32>} : memref<10416xf32, #tpu.memory_space<vmem>>, vector<16xf32>,
      %mul3A_573 = arith.constant 7 : i32
      %mul3A_574 = arith.muli %add3A_444, %mul3A_573 : i32
      %add3A_575 = arith.constant 2 : i32
      %add3A_576 = arith.addi %mul3A_574, %add3A_575 : i32
      %mul3A_577 = arith.constant 16 : i32
      %mul3A_578 = arith.muli %add3A_576, %mul3A_577 : i32
      %get3A_579 = arith.index_cast %mul3A_578 : i32 to index
      %get3A_580 = tpu.vector_load %arg10[%get3A_579] {strides = array<i32>} : memref<10416xf32, #tpu.memory_space<vmem>>, vector<16xf32>,
      %mul3A_581 = arith.constant 7 : i32
      %mul3A_582 = arith.muli %add3A_444, %mul3A_581 : i32
      %add3A_583 = arith.constant 3 : i32
      %add3A_584 = arith.addi %mul3A_582, %add3A_583 : i32
      %mul3A_585 = arith.constant 16 : i32
      %mul3A_586 = arith.muli %add3A_584, %mul3A_585 : i32
      %get3A_587 = arith.index_cast %mul3A_586 : i32 to index
      %get3A_588 = tpu.vector_load %arg10[%get3A_587] {strides = array<i32>} : memref<10416xf32, #tpu.memory_space<vmem>>, vector<16xf32>,
      %mul3A_589 = arith.constant 7 : i32
      %mul3A_590 = arith.muli %add3A_444, %mul3A_589 : i32
      %add3A_591 = arith.constant 4 : i32
      %add3A_592 = arith.addi %mul3A_590, %add3A_591 : i32
      %mul3A_593 = arith.constant 16 : i32
      %mul3A_594 = arith.muli %add3A_592, %mul3A_593 : i32
      %get3A_595 = arith.index_cast %mul3A_594 : i32 to index
      %get3A_596 = tpu.vector_load %arg10[%get3A_595] {strides = array<i32>} : memref<10416xf32, #tpu.memory_space<vmem>>, vector<16xf32>,
      %mul3A_597 = arith.constant 7 : i32
      %mul3A_598 = arith.muli %add3A_444, %mul3A_597 : i32
      %add3A_599 = arith.constant 5 : i32
      %add3A_600 = arith.addi %mul3A_598, %add3A_599 : i32
      %mul3A_601 = arith.constant 16 : i32
      %mul3A_602 = arith.muli %add3A_600, %mul3A_601 : i32
      %get3A_603 = arith.index_cast %mul3A_602 : i32 to index
      %get3A_604 = tpu.vector_load %arg10[%get3A_603] {strides = array<i32>} : memref<10416xf32, #tpu.memory_space<vmem>>, vector<16xf32>,
      %mul3A_605 = arith.constant 7 : i32
      %mul3A_606 = arith.muli %add3A_444, %mul3A_605 : i32
      %add3A_607 = arith.constant 6 : i32
      %add3A_608 = arith.addi %mul3A_606, %add3A_607 : i32
      %mul3A_609 = arith.constant 16 : i32
      %mul3A_610 = arith.muli %add3A_608, %mul3A_609 : i32
      %get3A_611 = arith.index_cast %mul3A_610 : i32 to index
      %get3A_612 = tpu.vector_load %arg10[%get3A_611] {strides = array<i32>} : memref<10416xf32, #tpu.memory_space<vmem>>, vector<16xf32>,
      %mul3A_613 = arith.constant 16 : i32
      %mul3A_614 = vector.broadcast %mul3A_613 : i32 to vector<16xi32>
      %mul3A_615 = arith.muli %get3A_452, %mul3A_614 : vector<16xi32>
      %add3A_616 = arith.addi %mul3A_615, %iota3A : vector<16xi32>
      %mul3A_617 = arith.constant 16 : i32
      %mul3A_618 = vector.broadcast %mul3A_617 : i32 to vector<16xi32>
      %mul3A_619 = arith.muli %get3A_460, %mul3A_618 : vector<16xi32>
      %add3A_620 = arith.addi %mul3A_619, %iota3A : vector<16xi32>
      %mul3A_621 = arith.constant 16 : i32
      %mul3A_622 = vector.broadcast %mul3A_621 : i32 to vector<16xi32>
      %mul3A_623 = arith.muli %get3A_468, %mul3A_622 : vector<16xi32>
      %add3A_624 = arith.addi %mul3A_623, %iota3A : vector<16xi32>
      %mul3A_625 = arith.constant 16 : i32
      %mul3A_626 = vector.broadcast %mul3A_625 : i32 to vector<16xi32>
      %mul3A_627 = arith.muli %get3A_476, %mul3A_626 : vector<16xi32>
      %add3A_628 = arith.addi %mul3A_627, %iota3A : vector<16xi32>
      %mul3A_629 = arith.constant 16 : i32
      %mul3A_630 = vector.broadcast %mul3A_629 : i32 to vector<16xi32>
      %mul3A_631 = arith.muli %get3A_484, %mul3A_630 : vector<16xi32>
      %add3A_632 = arith.addi %mul3A_631, %iota3A : vector<16xi32>
      %mul3A_633 = arith.constant 16 : i32
      %mul3A_634 = vector.broadcast %mul3A_633 : i32 to vector<16xi32>
      %mul3A_635 = arith.muli %get3A_492, %mul3A_634 : vector<16xi32>
      %add3A_636 = arith.addi %mul3A_635, %iota3A : vector<16xi32>
      %mul3A_637 = arith.constant 16 : i32
      %mul3A_638 = vector.broadcast %mul3A_637 : i32 to vector<16xi32>
      %mul3A_639 = arith.muli %get3A_500, %mul3A_638 : vector<16xi32>
      %add3A_640 = arith.addi %mul3A_639, %iota3A : vector<16xi32>
      %sub3A_641 = arith.subf %get3A_508, %get3A_564 : vector<16xf32>
      %sub3A_642 = arith.subf %get3A_516, %get3A_572 : vector<16xf32>
      %sub3A_643 = arith.subf %get3A_524, %get3A_580 : vector<16xf32>
      %sub3A_644 = arith.subf %get3A_532, %get3A_588 : vector<16xf32>
      %sub3A_645 = arith.subf %get3A_540, %get3A_596 : vector<16xf32>
      %sub3A_646 = arith.subf %get3A_548, %get3A_604 : vector<16xf32>
      %sub3A_647 = arith.subf %get3A_556, %get3A_612 : vector<16xf32>
      tpu.vector_store_idx %arg14[%scan3A_429], %scan3A_436 {add = true} : memref<512xf32, #tpu.memory_space<vmem>>[vector<16xi32>], vector<16xf32>,
      %add3A_648 = arith.constant 256 : i32
      %add3A_649 = vector.broadcast %add3A_648 : i32 to vector<16xi32>
      %add3A_650 = arith.addi %scan3A_429, %add3A_649 : vector<16xi32>
      tpu.vector_store_idx %arg14[%add3A_650], %broadcast_in_dim3A_7 {add = true} : memref<512xf32, #tpu.memory_space<vmem>>[vector<16xi32>], vector<16xf32>,
      tpu.vector_store_idx %arg14[%scan3A_430], %scan3A_437 {add = true} : memref<512xf32, #tpu.memory_space<vmem>>[vector<16xi32>], vector<16xf32>,
      %add3A_651 = arith.constant 256 : i32
      %add3A_652 = vector.broadcast %add3A_651 : i32 to vector<16xi32>
      %add3A_653 = arith.addi %scan3A_430, %add3A_652 : vector<16xi32>
      tpu.vector_store_idx %arg14[%add3A_653], %broadcast_in_dim3A_7 {add = true} : memref<512xf32, #tpu.memory_space<vmem>>[vector<16xi32>], vector<16xf32>,
      tpu.vector_store_idx %arg14[%scan3A_431], %scan3A_438 {add = true} : memref<512xf32, #tpu.memory_space<vmem>>[vector<16xi32>], vector<16xf32>,
      %add3A_654 = arith.constant 256 : i32
      %add3A_655 = vector.broadcast %add3A_654 : i32 to vector<16xi32>
      %add3A_656 = arith.addi %scan3A_431, %add3A_655 : vector<16xi32>
      tpu.vector_store_idx %arg14[%add3A_656], %broadcast_in_dim3A_7 {add = true} : memref<512xf32, #tpu.memory_space<vmem>>[vector<16xi32>], vector<16xf32>,
      tpu.vector_store_idx %arg14[%scan3A_432], %scan3A_439 {add = true} : memref<512xf32, #tpu.memory_space<vmem>>[vector<16xi32>], vector<16xf32>,
      %add3A_657 = arith.constant 256 : i32
      %add3A_658 = vector.broadcast %add3A_657 : i32 to vector<16xi32>
      %add3A_659 = arith.addi %scan3A_432, %add3A_658 : vector<16xi32>
      tpu.vector_store_idx %arg14[%add3A_659], %broadcast_in_dim3A_7 {add = true} : memref<512xf32, #tpu.memory_space<vmem>>[vector<16xi32>], vector<16xf32>,
      tpu.vector_store_idx %arg14[%scan3A_433], %scan3A_440 {add = true} : memref<512xf32, #tpu.memory_space<vmem>>[vector<16xi32>], vector<16xf32>,
      %add3A_660 = arith.constant 256 : i32
      %add3A_661 = vector.broadcast %add3A_660 : i32 to vector<16xi32>
      %add3A_662 = arith.addi %scan3A_433, %add3A_661 : vector<16xi32>
      tpu.vector_store_idx %arg14[%add3A_662], %broadcast_in_dim3A_7 {add = true} : memref<512xf32, #tpu.memory_space<vmem>>[vector<16xi32>], vector<16xf32>,
      tpu.vector_store_idx %arg14[%scan3A_434], %scan3A_441 {add = true} : memref<512xf32, #tpu.memory_space<vmem>>[vector<16xi32>], vector<16xf32>,
      %add3A_663 = arith.constant 256 : i32
      %add3A_664 = vector.broadcast %add3A_663 : i32 to vector<16xi32>
      %add3A_665 = arith.addi %scan3A_434, %add3A_664 : vector<16xi32>
      tpu.vector_store_idx %arg14[%add3A_665], %broadcast_in_dim3A_7 {add = true} : memref<512xf32, #tpu.memory_space<vmem>>[vector<16xi32>], vector<16xf32>,
      tpu.vector_store_idx %arg14[%scan3A_435], %scan3A_442 {add = true} : memref<512xf32, #tpu.memory_space<vmem>>[vector<16xi32>], vector<16xf32>,
      %add3A_666 = arith.constant 256 : i32
      %add3A_667 = vector.broadcast %add3A_666 : i32 to vector<16xi32>
      %add3A_668 = arith.addi %scan3A_435, %add3A_667 : vector<16xi32>
      tpu.vector_store_idx %arg14[%add3A_668], %broadcast_in_dim3A_7 {add = true} : memref<512xf32, #tpu.memory_space<vmem>>[vector<16xi32>], vector<16xf32>,
      scf.yield %add3A_616, %add3A_620, %add3A_624, %add3A_628, %add3A_632, %add3A_636, %add3A_640, %sub3A_641, %sub3A_642, %sub3A_643, %sub3A_644, %sub3A_645, %sub3A_646, %sub3A_647 : vector<16xi32>, vector<16xi32>, vector<16xi32>, vector<16xi32>, vector<16xi32>, vector<16xi32>, vector<16xi32>, vector<16xf32>, vector<16xf32>, vector<16xf32>, vector<16xf32>, vector<16xf32>, vector<16xf32>, vector<16xf32>
    }
    %scan3A_294 = arith.constant 92 : i32
    tpu.vector_store_idx %arg14[%scan3A_293#0], %scan3A_293#7 {add = true} : memref<512xf32, #tpu.memory_space<vmem>>[vector<16xi32>], vector<16xf32>,
    %add3A_295 = arith.constant 256 : i32
    %add3A_296 = vector.broadcast %add3A_295 : i32 to vector<16xi32>
    %add3A_297 = arith.addi %scan3A_293#0, %add3A_296 : vector<16xi32>
    tpu.vector_store_idx %arg14[%add3A_297], %broadcast_in_dim3A_7 {add = true} : memref<512xf32, #tpu.memory_space<vmem>>[vector<16xi32>], vector<16xf32>,
    tpu.vector_store_idx %arg14[%scan3A_293#1], %scan3A_293#8 {add = true} : memref<512xf32, #tpu.memory_space<vmem>>[vector<16xi32>], vector<16xf32>,
    %add3A_298 = arith.constant 256 : i32
    %add3A_299 = vector.broadcast %add3A_298 : i32 to vector<16xi32>
    %add3A_300 = arith.addi %scan3A_293#1, %add3A_299 : vector<16xi32>
    tpu.vector_store_idx %arg14[%add3A_300], %broadcast_in_dim3A_7 {add = true} : memref<512xf32, #tpu.memory_space<vmem>>[vector<16xi32>], vector<16xf32>,
    tpu.vector_store_idx %arg14[%scan3A_293#2], %scan3A_293#9 {add = true} : memref<512xf32, #tpu.memory_space<vmem>>[vector<16xi32>], vector<16xf32>,
    %add3A_301 = arith.constant 256 : i32
    %add3A_302 = vector.broadcast %add3A_301 : i32 to vector<16xi32>
    %add3A_303 = arith.addi %scan3A_293#2, %add3A_302 : vector<16xi32>
    tpu.vector_store_idx %arg14[%add3A_303], %broadcast_in_dim3A_7 {add = true} : memref<512xf32, #tpu.memory_space<vmem>>[vector<16xi32>], vector<16xf32>,
    tpu.vector_store_idx %arg14[%scan3A_293#3], %scan3A_293#10 {add = true} : memref<512xf32, #tpu.memory_space<vmem>>[vector<16xi32>], vector<16xf32>,
    %add3A_304 = arith.constant 256 : i32
    %add3A_305 = vector.broadcast %add3A_304 : i32 to vector<16xi32>
    %add3A_306 = arith.addi %scan3A_293#3, %add3A_305 : vector<16xi32>
    tpu.vector_store_idx %arg14[%add3A_306], %broadcast_in_dim3A_7 {add = true} : memref<512xf32, #tpu.memory_space<vmem>>[vector<16xi32>], vector<16xf32>,
    tpu.vector_store_idx %arg14[%scan3A_293#4], %scan3A_293#11 {add = true} : memref<512xf32, #tpu.memory_space<vmem>>[vector<16xi32>], vector<16xf32>,
    %add3A_307 = arith.constant 256 : i32
    %add3A_308 = vector.broadcast %add3A_307 : i32 to vector<16xi32>
    %add3A_309 = arith.addi %scan3A_293#4, %add3A_308 : vector<16xi32>
    tpu.vector_store_idx %arg14[%add3A_309], %broadcast_in_dim3A_7 {add = true} : memref<512xf32, #tpu.memory_space<vmem>>[vector<16xi32>], vector<16xf32>,
    tpu.vector_store_idx %arg14[%scan3A_293#5], %scan3A_293#12 {add = true} : memref<512xf32, #tpu.memory_space<vmem>>[vector<16xi32>], vector<16xf32>,
    %add3A_310 = arith.constant 256 : i32
    %add3A_311 = vector.broadcast %add3A_310 : i32 to vector<16xi32>
    %add3A_312 = arith.addi %scan3A_293#5, %add3A_311 : vector<16xi32>
    tpu.vector_store_idx %arg14[%add3A_312], %broadcast_in_dim3A_7 {add = true} : memref<512xf32, #tpu.memory_space<vmem>>[vector<16xi32>], vector<16xf32>,
    tpu.vector_store_idx %arg14[%scan3A_293#6], %scan3A_293#13 {add = true} : memref<512xf32, #tpu.memory_space<vmem>>[vector<16xi32>], vector<16xf32>,
    %add3A_313 = arith.constant 256 : i32
    %add3A_314 = vector.broadcast %add3A_313 : i32 to vector<16xi32>
    %add3A_315 = arith.addi %scan3A_293#6, %add3A_314 : vector<16xi32>
    tpu.vector_store_idx %arg14[%add3A_315], %broadcast_in_dim3A_7 {add = true} : memref<512xf32, #tpu.memory_space<vmem>>[vector<16xi32>], vector<16xf32>,
    %dma_wait3A_316 = tpu.memref_slice %arg2[%mul3A_205] : memref<1000000xf32, #tpu.memory_space<hbm>> -> memref<10416xf32, #tpu.memory_space<hbm>>
    %dma_wait3A_317 = tpu.memref_slice %arg2[%mul3A_205] : memref<1000000xf32, #tpu.memory_space<hbm>> -> memref<10416xf32, #tpu.memory_space<hbm>>
    tpu.wait_dma2 semaphore(%arg12 : memref<!tpu.dma_semaphore, #tpu.memory_space<semaphore_mem>>) src(%dma_wait3A_317 : memref<10416xf32, #tpu.memory_space<hbm>>) dst(%arg6 : memref<10416xf32, #tpu.memory_space<vmem>>)
    %dma_wait3A_318 = tpu.memref_slice %arg3[%mul3A_205] : memref<1000000xf32, #tpu.memory_space<hbm>> -> memref<10416xf32, #tpu.memory_space<hbm>>
    %dma_wait3A_319 = tpu.memref_slice %arg3[%mul3A_205] : memref<1000000xf32, #tpu.memory_space<hbm>> -> memref<10416xf32, #tpu.memory_space<hbm>>
    tpu.wait_dma2 semaphore(%arg12 : memref<!tpu.dma_semaphore, #tpu.memory_space<semaphore_mem>>) src(%dma_wait3A_319 : memref<10416xf32, #tpu.memory_space<hbm>>) dst(%arg7 : memref<10416xf32, #tpu.memory_space<vmem>>)
    %dma_wait3A_320 = tpu.memref_slice %arg4[%mul3A_205] : memref<1000000xi32, #tpu.memory_space<hbm>> -> memref<10416xi32, #tpu.memory_space<hbm>>
    %dma_wait3A_321 = tpu.memref_slice %arg4[%mul3A_205] : memref<1000000xi32, #tpu.memory_space<hbm>> -> memref<10416xi32, #tpu.memory_space<hbm>>
    tpu.wait_dma2 semaphore(%arg12 : memref<!tpu.dma_semaphore, #tpu.memory_space<semaphore_mem>>) src(%dma_wait3A_321 : memref<10416xi32, #tpu.memory_space<hbm>>) dst(%arg8 : memref<10416xi32, #tpu.memory_space<vmem>>)
    %get3A_322 = arith.constant 0 : index
    %get3A_323 = tpu.vector_load %arg8[%get3A_322] {strides = array<i32>} : memref<10416xi32, #tpu.memory_space<vmem>>, vector<16xi32>,
    %get3A_324 = arith.constant 16 : index
    %get3A_325 = tpu.vector_load %arg8[%get3A_324] {strides = array<i32>} : memref<10416xi32, #tpu.memory_space<vmem>>, vector<16xi32>,
    %get3A_326 = arith.constant 32 : index
    %get3A_327 = tpu.vector_load %arg8[%get3A_326] {strides = array<i32>} : memref<10416xi32, #tpu.memory_space<vmem>>, vector<16xi32>,
    %get3A_328 = arith.constant 48 : index
    %get3A_329 = tpu.vector_load %arg8[%get3A_328] {strides = array<i32>} : memref<10416xi32, #tpu.memory_space<vmem>>, vector<16xi32>,
    %get3A_330 = arith.constant 64 : index
    %get3A_331 = tpu.vector_load %arg8[%get3A_330] {strides = array<i32>} : memref<10416xi32, #tpu.memory_space<vmem>>, vector<16xi32>,
    %get3A_332 = arith.constant 80 : index
    %get3A_333 = tpu.vector_load %arg8[%get3A_332] {strides = array<i32>} : memref<10416xi32, #tpu.memory_space<vmem>>, vector<16xi32>,
    %get3A_334 = arith.constant 96 : index
    %get3A_335 = tpu.vector_load %arg8[%get3A_334] {strides = array<i32>} : memref<10416xi32, #tpu.memory_space<vmem>>, vector<16xi32>,
    %get3A_336 = arith.constant 0 : index
    %get3A_337 = tpu.vector_load %arg6[%get3A_336] {strides = array<i32>} : memref<10416xf32, #tpu.memory_space<vmem>>, vector<16xf32>,
    %get3A_338 = arith.constant 16 : index
    %get3A_339 = tpu.vector_load %arg6[%get3A_338] {strides = array<i32>} : memref<10416xf32, #tpu.memory_space<vmem>>, vector<16xf32>,
    %get3A_340 = arith.constant 32 : index
    %get3A_341 = tpu.vector_load %arg6[%get3A_340] {strides = array<i32>} : memref<10416xf32, #tpu.memory_space<vmem>>, vector<16xf32>,
    %get3A_342 = arith.constant 48 : index
    %get3A_343 = tpu.vector_load %arg6[%get3A_342] {strides = array<i32>} : memref<10416xf32, #tpu.memory_space<vmem>>, vector<16xf32>,
    %get3A_344 = arith.constant 64 : index
    %get3A_345 = tpu.vector_load %arg6[%get3A_344] {strides = array<i32>} : memref<10416xf32, #tpu.memory_space<vmem>>, vector<16xf32>,
    %get3A_346 = arith.constant 80 : index
    %get3A_347 = tpu.vector_load %arg6[%get3A_346] {strides = array<i32>} : memref<10416xf32, #tpu.memory_space<vmem>>, vector<16xf32>,
    %get3A_348 = arith.constant 96 : index
    %get3A_349 = tpu.vector_load %arg6[%get3A_348] {strides = array<i32>} : memref<10416xf32, #tpu.memory_space<vmem>>, vector<16xf32>,
    %get3A_350 = arith.constant 0 : index
    %get3A_351 = tpu.vector_load %arg7[%get3A_350] {strides = array<i32>} : memref<10416xf32, #tpu.memory_space<vmem>>, vector<16xf32>,
    %get3A_352 = arith.constant 16 : index
    %get3A_353 = tpu.vector_load %arg7[%get3A_352] {strides = array<i32>} : memref<10416xf32, #tpu.memory_space<vmem>>, vector<16xf32>,
    %get3A_354 = arith.constant 32 : index
    %get3A_355 = tpu.vector_load %arg7[%get3A_354] {strides = array<i32>} : memref<10416xf32, #tpu.memory_space<vmem>>, vector<16xf32>,
    %get3A_356 = arith.constant 48 : index
    %get3A_357 = tpu.vector_load %arg7[%get3A_356] {strides = array<i32>} : memref<10416xf32, #tpu.memory_space<vmem>>, vector<16xf32>,
    %get3A_358 = arith.constant 64 : index
    %get3A_359 = tpu.vector_load %arg7[%get3A_358] {strides = array<i32>} : memref<10416xf32, #tpu.memory_space<vmem>>, vector<16xf32>,
    %get3A_360 = arith.constant 80 : index
    %get3A_361 = tpu.vector_load %arg7[%get3A_360] {strides = array<i32>} : memref<10416xf32, #tpu.memory_space<vmem>>, vector<16xf32>,
    %get3A_362 = arith.constant 96 : index
    %get3A_363 = tpu.vector_load %arg7[%get3A_362] {strides = array<i32>} : memref<10416xf32, #tpu.memory_space<vmem>>, vector<16xf32>,
    %mul3A_364 = arith.constant 16 : i32
    %mul3A_365 = vector.broadcast %mul3A_364 : i32 to vector<16xi32>
    %mul3A_366 = arith.muli %get3A_323, %mul3A_365 : vector<16xi32>
    %add3A_367 = arith.addi %mul3A_366, %iota3A : vector<16xi32>
    %mul3A_368 = arith.constant 16 : i32
    %mul3A_369 = vector.broadcast %mul3A_368 : i32 to vector<16xi32>
    %mul3A_370 = arith.muli %get3A_325, %mul3A_369 : vector<16xi32>
    %add3A_371 = arith.addi %mul3A_370, %iota3A : vector<16xi32>
    %mul3A_372 = arith.constant 16 : i32
    %mul3A_373 = vector.broadcast %mul3A_372 : i32 to vector<16xi32>
    %mul3A_374 = arith.muli %get3A_327, %mul3A_373 : vector<16xi32>
    %add3A_375 = arith.addi %mul3A_374, %iota3A : vector<16xi32>
    %mul3A_376 = arith.constant 16 : i32
    %mul3A_377 = vector.broadcast %mul3A_376 : i32 to vector<16xi32>
    %mul3A_378 = arith.muli %get3A_329, %mul3A_377 : vector<16xi32>
    %add3A_379 = arith.addi %mul3A_378, %iota3A : vector<16xi32>
    %mul3A_380 = arith.constant 16 : i32
    %mul3A_381 = vector.broadcast %mul3A_380 : i32 to vector<16xi32>
    %mul3A_382 = arith.muli %get3A_331, %mul3A_381 : vector<16xi32>
    %add3A_383 = arith.addi %mul3A_382, %iota3A : vector<16xi32>
    %mul3A_384 = arith.constant 16 : i32
    %mul3A_385 = vector.broadcast %mul3A_384 : i32 to vector<16xi32>
    %mul3A_386 = arith.muli %get3A_333, %mul3A_385 : vector<16xi32>
    %add3A_387 = arith.addi %mul3A_386, %iota3A : vector<16xi32>
    %mul3A_388 = arith.constant 16 : i32
    %mul3A_389 = vector.broadcast %mul3A_388 : i32 to vector<16xi32>
    %mul3A_390 = arith.muli %get3A_335, %mul3A_389 : vector<16xi32>
    %add3A_391 = arith.addi %mul3A_390, %iota3A : vector<16xi32>
    %sub3A_392 = arith.subf %get3A_337, %get3A_351 : vector<16xf32>
    %sub3A_393 = arith.subf %get3A_339, %get3A_353 : vector<16xf32>
    %sub3A_394 = arith.subf %get3A_341, %get3A_355 : vector<16xf32>
    %sub3A_395 = arith.subf %get3A_343, %get3A_357 : vector<16xf32>
    %sub3A_396 = arith.subf %get3A_345, %get3A_359 : vector<16xf32>
    %sub3A_397 = arith.subf %get3A_347, %get3A_361 : vector<16xf32>
    %sub3A_398 = arith.subf %get3A_349, %get3A_363 : vector<16xf32>
    %scan3A_399 = arith.constant 0 : i32
    %scan3A_400 = arith.constant 92 : i32
    %scan3A_401 = arith.addi %scan3A_399, %scan3A_400 : i32
    %scan3A_402 = arith.constant 1 : i32
    %scan3A_403:14 = scf.for %scan3A_428 = %scan3A_399 to %scan3A_401 step %scan3A_402 iter_args(%scan3A_429 = %add3A_367, %scan3A_430 = %add3A_371, %scan3A_431 = %add3A_375, %scan3A_432 = %add3A_379, %scan3A_433 = %add3A_383, %scan3A_434 = %add3A_387, %scan3A_435 = %add3A_391, %scan3A_436 = %sub3A_392, %scan3A_437 = %sub3A_393, %scan3A_438 = %sub3A_394, %scan3A_439 = %sub3A_395, %scan3A_440 = %sub3A_396, %scan3A_441 = %sub3A_397, %scan3A_442 = %sub3A_398) -> (vector<16xi32>, vector<16xi32>, vector<16xi32>, vector<16xi32>, vector<16xi32>, vector<16xi32>, vector<16xi32>, vector<16xf32>, vector<16xf32>, vector<16xf32>, vector<16xf32>, vector<16xf32>, vector<16xf32>, vector<16xf32>)  : i32 {
      %add3A_443 = arith.constant 1 : i32
      %add3A_444 = arith.addi %scan3A_428, %add3A_443 : i32
      %mul3A_445 = arith.constant 7 : i32
      %mul3A_446 = arith.muli %add3A_444, %mul3A_445 : i32
      %add3A_447 = arith.constant 0 : i32
      %add3A_448 = arith.addi %mul3A_446, %add3A_447 : i32
      %mul3A_449 = arith.constant 16 : i32
      %mul3A_450 = arith.muli %add3A_448, %mul3A_449 : i32
      %get3A_451 = arith.index_cast %mul3A_450 : i32 to index
      %get3A_452 = tpu.vector_load %arg8[%get3A_451] {strides = array<i32>} : memref<10416xi32, #tpu.memory_space<vmem>>, vector<16xi32>,
      %mul3A_453 = arith.constant 7 : i32
      %mul3A_454 = arith.muli %add3A_444, %mul3A_453 : i32
      %add3A_455 = arith.constant 1 : i32
      %add3A_456 = arith.addi %mul3A_454, %add3A_455 : i32
      %mul3A_457 = arith.constant 16 : i32
      %mul3A_458 = arith.muli %add3A_456, %mul3A_457 : i32
      %get3A_459 = arith.index_cast %mul3A_458 : i32 to index
      %get3A_460 = tpu.vector_load %arg8[%get3A_459] {strides = array<i32>} : memref<10416xi32, #tpu.memory_space<vmem>>, vector<16xi32>,
      %mul3A_461 = arith.constant 7 : i32
      %mul3A_462 = arith.muli %add3A_444, %mul3A_461 : i32
      %add3A_463 = arith.constant 2 : i32
      %add3A_464 = arith.addi %mul3A_462, %add3A_463 : i32
      %mul3A_465 = arith.constant 16 : i32
      %mul3A_466 = arith.muli %add3A_464, %mul3A_465 : i32
      %get3A_467 = arith.index_cast %mul3A_466 : i32 to index
      %get3A_468 = tpu.vector_load %arg8[%get3A_467] {strides = array<i32>} : memref<10416xi32, #tpu.memory_space<vmem>>, vector<16xi32>,
      %mul3A_469 = arith.constant 7 : i32
      %mul3A_470 = arith.muli %add3A_444, %mul3A_469 : i32
      %add3A_471 = arith.constant 3 : i32
      %add3A_472 = arith.addi %mul3A_470, %add3A_471 : i32
      %mul3A_473 = arith.constant 16 : i32
      %mul3A_474 = arith.muli %add3A_472, %mul3A_473 : i32
      %get3A_475 = arith.index_cast %mul3A_474 : i32 to index
      %get3A_476 = tpu.vector_load %arg8[%get3A_475] {strides = array<i32>} : memref<10416xi32, #tpu.memory_space<vmem>>, vector<16xi32>,
      %mul3A_477 = arith.constant 7 : i32
      %mul3A_478 = arith.muli %add3A_444, %mul3A_477 : i32
      %add3A_479 = arith.constant 4 : i32
      %add3A_480 = arith.addi %mul3A_478, %add3A_479 : i32
      %mul3A_481 = arith.constant 16 : i32
      %mul3A_482 = arith.muli %add3A_480, %mul3A_481 : i32
      %get3A_483 = arith.index_cast %mul3A_482 : i32 to index
      %get3A_484 = tpu.vector_load %arg8[%get3A_483] {strides = array<i32>} : memref<10416xi32, #tpu.memory_space<vmem>>, vector<16xi32>,
      %mul3A_485 = arith.constant 7 : i32
      %mul3A_486 = arith.muli %add3A_444, %mul3A_485 : i32
      %add3A_487 = arith.constant 5 : i32
      %add3A_488 = arith.addi %mul3A_486, %add3A_487 : i32
      %mul3A_489 = arith.constant 16 : i32
      %mul3A_490 = arith.muli %add3A_488, %mul3A_489 : i32
      %get3A_491 = arith.index_cast %mul3A_490 : i32 to index
      %get3A_492 = tpu.vector_load %arg8[%get3A_491] {strides = array<i32>} : memref<10416xi32, #tpu.memory_space<vmem>>, vector<16xi32>,
      %mul3A_493 = arith.constant 7 : i32
      %mul3A_494 = arith.muli %add3A_444, %mul3A_493 : i32
      %add3A_495 = arith.constant 6 : i32
      %add3A_496 = arith.addi %mul3A_494, %add3A_495 : i32
      %mul3A_497 = arith.constant 16 : i32
      %mul3A_498 = arith.muli %add3A_496, %mul3A_497 : i32
      %get3A_499 = arith.index_cast %mul3A_498 : i32 to index
      %get3A_500 = tpu.vector_load %arg8[%get3A_499] {strides = array<i32>} : memref<10416xi32, #tpu.memory_space<vmem>>, vector<16xi32>,
      %mul3A_501 = arith.constant 7 : i32
      %mul3A_502 = arith.muli %add3A_444, %mul3A_501 : i32
      %add3A_503 = arith.constant 0 : i32
      %add3A_504 = arith.addi %mul3A_502, %add3A_503 : i32
      %mul3A_505 = arith.constant 16 : i32
      %mul3A_506 = arith.muli %add3A_504, %mul3A_505 : i32
      %get3A_507 = arith.index_cast %mul3A_506 : i32 to index
      %get3A_508 = tpu.vector_load %arg6[%get3A_507] {strides = array<i32>} : memref<10416xf32, #tpu.memory_space<vmem>>, vector<16xf32>,
      %mul3A_509 = arith.constant 7 : i32
      %mul3A_510 = arith.muli %add3A_444, %mul3A_509 : i32
      %add3A_511 = arith.constant 1 : i32
      %add3A_512 = arith.addi %mul3A_510, %add3A_511 : i32
      %mul3A_513 = arith.constant 16 : i32
      %mul3A_514 = arith.muli %add3A_512, %mul3A_513 : i32
      %get3A_515 = arith.index_cast %mul3A_514 : i32 to index
      %get3A_516 = tpu.vector_load %arg6[%get3A_515] {strides = array<i32>} : memref<10416xf32, #tpu.memory_space<vmem>>, vector<16xf32>,
      %mul3A_517 = arith.constant 7 : i32
      %mul3A_518 = arith.muli %add3A_444, %mul3A_517 : i32
      %add3A_519 = arith.constant 2 : i32
      %add3A_520 = arith.addi %mul3A_518, %add3A_519 : i32
      %mul3A_521 = arith.constant 16 : i32
      %mul3A_522 = arith.muli %add3A_520, %mul3A_521 : i32
      %get3A_523 = arith.index_cast %mul3A_522 : i32 to index
      %get3A_524 = tpu.vector_load %arg6[%get3A_523] {strides = array<i32>} : memref<10416xf32, #tpu.memory_space<vmem>>, vector<16xf32>,
      %mul3A_525 = arith.constant 7 : i32
      %mul3A_526 = arith.muli %add3A_444, %mul3A_525 : i32
      %add3A_527 = arith.constant 3 : i32
      %add3A_528 = arith.addi %mul3A_526, %add3A_527 : i32
      %mul3A_529 = arith.constant 16 : i32
      %mul3A_530 = arith.muli %add3A_528, %mul3A_529 : i32
      %get3A_531 = arith.index_cast %mul3A_530 : i32 to index
      %get3A_532 = tpu.vector_load %arg6[%get3A_531] {strides = array<i32>} : memref<10416xf32, #tpu.memory_space<vmem>>, vector<16xf32>,
      %mul3A_533 = arith.constant 7 : i32
      %mul3A_534 = arith.muli %add3A_444, %mul3A_533 : i32
      %add3A_535 = arith.constant 4 : i32
      %add3A_536 = arith.addi %mul3A_534, %add3A_535 : i32
      %mul3A_537 = arith.constant 16 : i32
      %mul3A_538 = arith.muli %add3A_536, %mul3A_537 : i32
      %get3A_539 = arith.index_cast %mul3A_538 : i32 to index
      %get3A_540 = tpu.vector_load %arg6[%get3A_539] {strides = array<i32>} : memref<10416xf32, #tpu.memory_space<vmem>>, vector<16xf32>,
      %mul3A_541 = arith.constant 7 : i32
      %mul3A_542 = arith.muli %add3A_444, %mul3A_541 : i32
      %add3A_543 = arith.constant 5 : i32
      %add3A_544 = arith.addi %mul3A_542, %add3A_543 : i32
      %mul3A_545 = arith.constant 16 : i32
      %mul3A_546 = arith.muli %add3A_544, %mul3A_545 : i32
      %get3A_547 = arith.index_cast %mul3A_546 : i32 to index
      %get3A_548 = tpu.vector_load %arg6[%get3A_547] {strides = array<i32>} : memref<10416xf32, #tpu.memory_space<vmem>>, vector<16xf32>,
      %mul3A_549 = arith.constant 7 : i32
      %mul3A_550 = arith.muli %add3A_444, %mul3A_549 : i32
      %add3A_551 = arith.constant 6 : i32
      %add3A_552 = arith.addi %mul3A_550, %add3A_551 : i32
      %mul3A_553 = arith.constant 16 : i32
      %mul3A_554 = arith.muli %add3A_552, %mul3A_553 : i32
      %get3A_555 = arith.index_cast %mul3A_554 : i32 to index
      %get3A_556 = tpu.vector_load %arg6[%get3A_555] {strides = array<i32>} : memref<10416xf32, #tpu.memory_space<vmem>>, vector<16xf32>,
      %mul3A_557 = arith.constant 7 : i32
      %mul3A_558 = arith.muli %add3A_444, %mul3A_557 : i32
      %add3A_559 = arith.constant 0 : i32
      %add3A_560 = arith.addi %mul3A_558, %add3A_559 : i32
      %mul3A_561 = arith.constant 16 : i32
      %mul3A_562 = arith.muli %add3A_560, %mul3A_561 : i32
      %get3A_563 = arith.index_cast %mul3A_562 : i32 to index
      %get3A_564 = tpu.vector_load %arg7[%get3A_563] {strides = array<i32>} : memref<10416xf32, #tpu.memory_space<vmem>>, vector<16xf32>,
      %mul3A_565 = arith.constant 7 : i32
      %mul3A_566 = arith.muli %add3A_444, %mul3A_565 : i32
      %add3A_567 = arith.constant 1 : i32
      %add3A_568 = arith.addi %mul3A_566, %add3A_567 : i32
      %mul3A_569 = arith.constant 16 : i32
      %mul3A_570 = arith.muli %add3A_568, %mul3A_569 : i32
      %get3A_571 = arith.index_cast %mul3A_570 : i32 to index
      %get3A_572 = tpu.vector_load %arg7[%get3A_571] {strides = array<i32>} : memref<10416xf32, #tpu.memory_space<vmem>>, vector<16xf32>,
      %mul3A_573 = arith.constant 7 : i32
      %mul3A_574 = arith.muli %add3A_444, %mul3A_573 : i32
      %add3A_575 = arith.constant 2 : i32
      %add3A_576 = arith.addi %mul3A_574, %add3A_575 : i32
      %mul3A_577 = arith.constant 16 : i32
      %mul3A_578 = arith.muli %add3A_576, %mul3A_577 : i32
      %get3A_579 = arith.index_cast %mul3A_578 : i32 to index
      %get3A_580 = tpu.vector_load %arg7[%get3A_579] {strides = array<i32>} : memref<10416xf32, #tpu.memory_space<vmem>>, vector<16xf32>,
      %mul3A_581 = arith.constant 7 : i32
      %mul3A_582 = arith.muli %add3A_444, %mul3A_581 : i32
      %add3A_583 = arith.constant 3 : i32
      %add3A_584 = arith.addi %mul3A_582, %add3A_583 : i32
      %mul3A_585 = arith.constant 16 : i32
      %mul3A_586 = arith.muli %add3A_584, %mul3A_585 : i32
      %get3A_587 = arith.index_cast %mul3A_586 : i32 to index
      %get3A_588 = tpu.vector_load %arg7[%get3A_587] {strides = array<i32>} : memref<10416xf32, #tpu.memory_space<vmem>>, vector<16xf32>,
      %mul3A_589 = arith.constant 7 : i32
      %mul3A_590 = arith.muli %add3A_444, %mul3A_589 : i32
      %add3A_591 = arith.constant 4 : i32
      %add3A_592 = arith.addi %mul3A_590, %add3A_591 : i32
      %mul3A_593 = arith.constant 16 : i32
      %mul3A_594 = arith.muli %add3A_592, %mul3A_593 : i32
      %get3A_595 = arith.index_cast %mul3A_594 : i32 to index
      %get3A_596 = tpu.vector_load %arg7[%get3A_595] {strides = array<i32>} : memref<10416xf32, #tpu.memory_space<vmem>>, vector<16xf32>,
      %mul3A_597 = arith.constant 7 : i32
      %mul3A_598 = arith.muli %add3A_444, %mul3A_597 : i32
      %add3A_599 = arith.constant 5 : i32
      %add3A_600 = arith.addi %mul3A_598, %add3A_599 : i32
      %mul3A_601 = arith.constant 16 : i32
      %mul3A_602 = arith.muli %add3A_600, %mul3A_601 : i32
      %get3A_603 = arith.index_cast %mul3A_602 : i32 to index
      %get3A_604 = tpu.vector_load %arg7[%get3A_603] {strides = array<i32>} : memref<10416xf32, #tpu.memory_space<vmem>>, vector<16xf32>,
      %mul3A_605 = arith.constant 7 : i32
      %mul3A_606 = arith.muli %add3A_444, %mul3A_605 : i32
      %add3A_607 = arith.constant 6 : i32
      %add3A_608 = arith.addi %mul3A_606, %add3A_607 : i32
      %mul3A_609 = arith.constant 16 : i32
      %mul3A_610 = arith.muli %add3A_608, %mul3A_609 : i32
      %get3A_611 = arith.index_cast %mul3A_610 : i32 to index
      %get3A_612 = tpu.vector_load %arg7[%get3A_611] {strides = array<i32>} : memref<10416xf32, #tpu.memory_space<vmem>>, vector<16xf32>,
      %mul3A_613 = arith.constant 16 : i32
      %mul3A_614 = vector.broadcast %mul3A_613 : i32 to vector<16xi32>
      %mul3A_615 = arith.muli %get3A_452, %mul3A_614 : vector<16xi32>
      %add3A_616 = arith.addi %mul3A_615, %iota3A : vector<16xi32>
      %mul3A_617 = arith.constant 16 : i32
      %mul3A_618 = vector.broadcast %mul3A_617 : i32 to vector<16xi32>
      %mul3A_619 = arith.muli %get3A_460, %mul3A_618 : vector<16xi32>
      %add3A_620 = arith.addi %mul3A_619, %iota3A : vector<16xi32>
      %mul3A_621 = arith.constant 16 : i32
      %mul3A_622 = vector.broadcast %mul3A_621 : i32 to vector<16xi32>
      %mul3A_623 = arith.muli %get3A_468, %mul3A_622 : vector<16xi32>
      %add3A_624 = arith.addi %mul3A_623, %iota3A : vector<16xi32>
      %mul3A_625 = arith.constant 16 : i32
      %mul3A_626 = vector.broadcast %mul3A_625 : i32 to vector<16xi32>
      %mul3A_627 = arith.muli %get3A_476, %mul3A_626 : vector<16xi32>
      %add3A_628 = arith.addi %mul3A_627, %iota3A : vector<16xi32>
      %mul3A_629 = arith.constant 16 : i32
      %mul3A_630 = vector.broadcast %mul3A_629 : i32 to vector<16xi32>
      %mul3A_631 = arith.muli %get3A_484, %mul3A_630 : vector<16xi32>
      %add3A_632 = arith.addi %mul3A_631, %iota3A : vector<16xi32>
      %mul3A_633 = arith.constant 16 : i32
      %mul3A_634 = vector.broadcast %mul3A_633 : i32 to vector<16xi32>
      %mul3A_635 = arith.muli %get3A_492, %mul3A_634 : vector<16xi32>
      %add3A_636 = arith.addi %mul3A_635, %iota3A : vector<16xi32>
      %mul3A_637 = arith.constant 16 : i32
      %mul3A_638 = vector.broadcast %mul3A_637 : i32 to vector<16xi32>
      %mul3A_639 = arith.muli %get3A_500, %mul3A_638 : vector<16xi32>
      %add3A_640 = arith.addi %mul3A_639, %iota3A : vector<16xi32>
      %sub3A_641 = arith.subf %get3A_508, %get3A_564 : vector<16xf32>
      %sub3A_642 = arith.subf %get3A_516, %get3A_572 : vector<16xf32>
      %sub3A_643 = arith.subf %get3A_524, %get3A_580 : vector<16xf32>
      %sub3A_644 = arith.subf %get3A_532, %get3A_588 : vector<16xf32>
      %sub3A_645 = arith.subf %get3A_540, %get3A_596 : vector<16xf32>
      %sub3A_646 = arith.subf %get3A_548, %get3A_604 : vector<16xf32>
      %sub3A_647 = arith.subf %get3A_556, %get3A_612 : vector<16xf32>
      tpu.vector_store_idx %arg14[%scan3A_429], %scan3A_436 {add = true} : memref<512xf32, #tpu.memory_space<vmem>>[vector<16xi32>], vector<16xf32>,
      %add3A_648 = arith.constant 256 : i32
      %add3A_649 = vector.broadcast %add3A_648 : i32 to vector<16xi32>
      %add3A_650 = arith.addi %scan3A_429, %add3A_649 : vector<16xi32>
      tpu.vector_store_idx %arg14[%add3A_650], %broadcast_in_dim3A_7 {add = true} : memref<512xf32, #tpu.memory_space<vmem>>[vector<16xi32>], vector<16xf32>,
      tpu.vector_store_idx %arg14[%scan3A_430], %scan3A_437 {add = true} : memref<512xf32, #tpu.memory_space<vmem>>[vector<16xi32>], vector<16xf32>,
      %add3A_651 = arith.constant 256 : i32
      %add3A_652 = vector.broadcast %add3A_651 : i32 to vector<16xi32>
      %add3A_653 = arith.addi %scan3A_430, %add3A_652 : vector<16xi32>
      tpu.vector_store_idx %arg14[%add3A_653], %broadcast_in_dim3A_7 {add = true} : memref<512xf32, #tpu.memory_space<vmem>>[vector<16xi32>], vector<16xf32>,
      tpu.vector_store_idx %arg14[%scan3A_431], %scan3A_438 {add = true} : memref<512xf32, #tpu.memory_space<vmem>>[vector<16xi32>], vector<16xf32>,
      %add3A_654 = arith.constant 256 : i32
      %add3A_655 = vector.broadcast %add3A_654 : i32 to vector<16xi32>
      %add3A_656 = arith.addi %scan3A_431, %add3A_655 : vector<16xi32>
      tpu.vector_store_idx %arg14[%add3A_656], %broadcast_in_dim3A_7 {add = true} : memref<512xf32, #tpu.memory_space<vmem>>[vector<16xi32>], vector<16xf32>,
      tpu.vector_store_idx %arg14[%scan3A_432], %scan3A_439 {add = true} : memref<512xf32, #tpu.memory_space<vmem>>[vector<16xi32>], vector<16xf32>,
      %add3A_657 = arith.constant 256 : i32
      %add3A_658 = vector.broadcast %add3A_657 : i32 to vector<16xi32>
      %add3A_659 = arith.addi %scan3A_432, %add3A_658 : vector<16xi32>
      tpu.vector_store_idx %arg14[%add3A_659], %broadcast_in_dim3A_7 {add = true} : memref<512xf32, #tpu.memory_space<vmem>>[vector<16xi32>], vector<16xf32>,
      tpu.vector_store_idx %arg14[%scan3A_433], %scan3A_440 {add = true} : memref<512xf32, #tpu.memory_space<vmem>>[vector<16xi32>], vector<16xf32>,
      %add3A_660 = arith.constant 256 : i32
      %add3A_661 = vector.broadcast %add3A_660 : i32 to vector<16xi32>
      %add3A_662 = arith.addi %scan3A_433, %add3A_661 : vector<16xi32>
      tpu.vector_store_idx %arg14[%add3A_662], %broadcast_in_dim3A_7 {add = true} : memref<512xf32, #tpu.memory_space<vmem>>[vector<16xi32>], vector<16xf32>,
      tpu.vector_store_idx %arg14[%scan3A_434], %scan3A_441 {add = true} : memref<512xf32, #tpu.memory_space<vmem>>[vector<16xi32>], vector<16xf32>,
      %add3A_663 = arith.constant 256 : i32
      %add3A_664 = vector.broadcast %add3A_663 : i32 to vector<16xi32>
      %add3A_665 = arith.addi %scan3A_434, %add3A_664 : vector<16xi32>
      tpu.vector_store_idx %arg14[%add3A_665], %broadcast_in_dim3A_7 {add = true} : memref<512xf32, #tpu.memory_space<vmem>>[vector<16xi32>], vector<16xf32>,
      tpu.vector_store_idx %arg14[%scan3A_435], %scan3A_442 {add = true} : memref<512xf32, #tpu.memory_space<vmem>>[vector<16xi32>], vector<16xf32>,
      %add3A_666 = arith.constant 256 : i32
      %add3A_667 = vector.broadcast %add3A_666 : i32 to vector<16xi32>
      %add3A_668 = arith.addi %scan3A_435, %add3A_667 : vector<16xi32>
      tpu.vector_store_idx %arg14[%add3A_668], %broadcast_in_dim3A_7 {add = true} : memref<512xf32, #tpu.memory_space<vmem>>[vector<16xi32>], vector<16xf32>,
      scf.yield %add3A_616, %add3A_620, %add3A_624, %add3A_628, %add3A_632, %add3A_636, %add3A_640, %sub3A_641, %sub3A_642, %sub3A_643, %sub3A_644, %sub3A_645, %sub3A_646, %sub3A_647 : vector<16xi32>, vector<16xi32>, vector<16xi32>, vector<16xi32>, vector<16xi32>, vector<16xi32>, vector<16xi32>, vector<16xf32>, vector<16xf32>, vector<16xf32>, vector<16xf32>, vector<16xf32>, vector<16xf32>, vector<16xf32>
    }
    %scan3A_404 = arith.constant 92 : i32
    tpu.vector_store_idx %arg14[%scan3A_403#0], %scan3A_403#7 {add = true} : memref<512xf32, #tpu.memory_space<vmem>>[vector<16xi32>], vector<16xf32>,
    %add3A_405 = arith.constant 256 : i32
    %add3A_406 = vector.broadcast %add3A_405 : i32 to vector<16xi32>
    %add3A_407 = arith.addi %scan3A_403#0, %add3A_406 : vector<16xi32>
    tpu.vector_store_idx %arg14[%add3A_407], %broadcast_in_dim3A_7 {add = true} : memref<512xf32, #tpu.memory_space<vmem>>[vector<16xi32>], vector<16xf32>,
    tpu.vector_store_idx %arg14[%scan3A_403#1], %scan3A_403#8 {add = true} : memref<512xf32, #tpu.memory_space<vmem>>[vector<16xi32>], vector<16xf32>,
    %add3A_408 = arith.constant 256 : i32
    %add3A_409 = vector.broadcast %add3A_408 : i32 to vector<16xi32>
    %add3A_410 = arith.addi %scan3A_403#1, %add3A_409 : vector<16xi32>
    tpu.vector_store_idx %arg14[%add3A_410], %broadcast_in_dim3A_7 {add = true} : memref<512xf32, #tpu.memory_space<vmem>>[vector<16xi32>], vector<16xf32>,
    tpu.vector_store_idx %arg14[%scan3A_403#2], %scan3A_403#9 {add = true} : memref<512xf32, #tpu.memory_space<vmem>>[vector<16xi32>], vector<16xf32>,
    %add3A_411 = arith.constant 256 : i32
    %add3A_412 = vector.broadcast %add3A_411 : i32 to vector<16xi32>
    %add3A_413 = arith.addi %scan3A_403#2, %add3A_412 : vector<16xi32>
    tpu.vector_store_idx %arg14[%add3A_413], %broadcast_in_dim3A_7 {add = true} : memref<512xf32, #tpu.memory_space<vmem>>[vector<16xi32>], vector<16xf32>,
    tpu.vector_store_idx %arg14[%scan3A_403#3], %scan3A_403#10 {add = true} : memref<512xf32, #tpu.memory_space<vmem>>[vector<16xi32>], vector<16xf32>,
    %add3A_414 = arith.constant 256 : i32
    %add3A_415 = vector.broadcast %add3A_414 : i32 to vector<16xi32>
    %add3A_416 = arith.addi %scan3A_403#3, %add3A_415 : vector<16xi32>
    tpu.vector_store_idx %arg14[%add3A_416], %broadcast_in_dim3A_7 {add = true} : memref<512xf32, #tpu.memory_space<vmem>>[vector<16xi32>], vector<16xf32>,
    tpu.vector_store_idx %arg14[%scan3A_403#4], %scan3A_403#11 {add = true} : memref<512xf32, #tpu.memory_space<vmem>>[vector<16xi32>], vector<16xf32>,
    %add3A_417 = arith.constant 256 : i32
    %add3A_418 = vector.broadcast %add3A_417 : i32 to vector<16xi32>
    %add3A_419 = arith.addi %scan3A_403#4, %add3A_418 : vector<16xi32>
    tpu.vector_store_idx %arg14[%add3A_419], %broadcast_in_dim3A_7 {add = true} : memref<512xf32, #tpu.memory_space<vmem>>[vector<16xi32>], vector<16xf32>,
    tpu.vector_store_idx %arg14[%scan3A_403#5], %scan3A_403#12 {add = true} : memref<512xf32, #tpu.memory_space<vmem>>[vector<16xi32>], vector<16xf32>,
    %add3A_420 = arith.constant 256 : i32
    %add3A_421 = vector.broadcast %add3A_420 : i32 to vector<16xi32>
    %add3A_422 = arith.addi %scan3A_403#5, %add3A_421 : vector<16xi32>
    tpu.vector_store_idx %arg14[%add3A_422], %broadcast_in_dim3A_7 {add = true} : memref<512xf32, #tpu.memory_space<vmem>>[vector<16xi32>], vector<16xf32>,
    tpu.vector_store_idx %arg14[%scan3A_403#6], %scan3A_403#13 {add = true} : memref<512xf32, #tpu.memory_space<vmem>>[vector<16xi32>], vector<16xf32>,
    %add3A_423 = arith.constant 256 : i32
    %add3A_424 = vector.broadcast %add3A_423 : i32 to vector<16xi32>
    %add3A_425 = arith.addi %scan3A_403#6, %add3A_424 : vector<16xi32>
    tpu.vector_store_idx %arg14[%add3A_425], %broadcast_in_dim3A_7 {add = true} : memref<512xf32, #tpu.memory_space<vmem>>[vector<16xi32>], vector<16xf32>,
    %lt3A = arith.constant 4 : i32
    %lt3A_426 = arith.cmpi slt, %add3A, %lt3A : i32
    %convert_element_type3A = arith.extui %lt3A_426 : i1 to i32
    %cond3A = arith.constant 0 : i32
    %cond3A_427 = arith.cmpi ne, %convert_element_type3A, %cond3A : i32
    scf.if %cond3A_427 {
      %add3A_428 = arith.constant 1953 : i32
      %add3A_429 = arith.addi %add3A_4, %add3A_428 : i32
      %mul3A_430 = arith.constant 16 : i32
      %mul3A_431 = arith.muli %add3A_429, %mul3A_430 : i32
      "tpu.region"() ({
        %run_scoped3A = tpu.sem_alloc : memref<!tpu.dma_semaphore, #tpu.memory_space<semaphore_mem>>
        %dma_start3A_446 = arith.constant 0 : i32
        %dma_start3A_447 = tpu.memref_slice %arg8[%dma_start3A_446] : memref<10416xi32, #tpu.memory_space<vmem>> -> memref<16xi32, #tpu.memory_space<vmem>>
        %dma_start3A_448 = tpu.memref_slice %arg4[%mul3A_431] : memref<1000000xi32, #tpu.memory_space<hbm>> -> memref<16xi32, #tpu.memory_space<hbm>>
        %dma_start3A_449 = arith.constant 0 : i32
        %dma_start3A_450 = tpu.memref_slice %arg8[%dma_start3A_449] : memref<10416xi32, #tpu.memory_space<vmem>> -> memref<16xi32, #tpu.memory_space<vmem>>
        %dma_start3A_451 = tpu.memref_slice %arg4[%mul3A_431] : memref<1000000xi32, #tpu.memory_space<hbm>> -> memref<16xi32, #tpu.memory_space<hbm>>
        tpu.enqueue_dma source(%dma_start3A_451 : memref<16xi32, #tpu.memory_space<hbm>>) target(%dma_start3A_450 : memref<16xi32, #tpu.memory_space<vmem>>) target_semaphore(%run_scoped3A : memref<!tpu.dma_semaphore, #tpu.memory_space<semaphore_mem>>)
        %dma_wait3A_452 = arith.constant 0 : i32
        %dma_wait3A_453 = tpu.memref_slice %arg8[%dma_wait3A_452] : memref<10416xi32, #tpu.memory_space<vmem>> -> memref<16xi32, #tpu.memory_space<vmem>>
        %dma_wait3A_454 = tpu.memref_slice %arg4[%mul3A_431] : memref<1000000xi32, #tpu.memory_space<hbm>> -> memref<16xi32, #tpu.memory_space<hbm>>
        %dma_wait3A_455 = arith.constant 0 : i32
        %dma_wait3A_456 = tpu.memref_slice %arg8[%dma_wait3A_455] : memref<10416xi32, #tpu.memory_space<vmem>> -> memref<16xi32, #tpu.memory_space<vmem>>
        %dma_wait3A_457 = tpu.memref_slice %arg4[%mul3A_431] : memref<1000000xi32, #tpu.memory_space<hbm>> -> memref<16xi32, #tpu.memory_space<hbm>>
        tpu.wait_dma2 semaphore(%run_scoped3A : memref<!tpu.dma_semaphore, #tpu.memory_space<semaphore_mem>>) src(%dma_wait3A_457 : memref<16xi32, #tpu.memory_space<hbm>>) dst(%dma_wait3A_456 : memref<16xi32, #tpu.memory_space<vmem>>)
        tpu.yield
      }) : () -> ()
      "tpu.region"() ({
        %run_scoped3A = tpu.sem_alloc : memref<!tpu.dma_semaphore, #tpu.memory_space<semaphore_mem>>
        %dma_start3A_446 = arith.constant 0 : i32
        %dma_start3A_447 = tpu.memref_slice %arg6[%dma_start3A_446] : memref<10416xf32, #tpu.memory_space<vmem>> -> memref<16xf32, #tpu.memory_space<vmem>>
        %dma_start3A_448 = tpu.memref_slice %arg2[%mul3A_431] : memref<1000000xf32, #tpu.memory_space<hbm>> -> memref<16xf32, #tpu.memory_space<hbm>>
        %dma_start3A_449 = arith.constant 0 : i32
        %dma_start3A_450 = tpu.memref_slice %arg6[%dma_start3A_449] : memref<10416xf32, #tpu.memory_space<vmem>> -> memref<16xf32, #tpu.memory_space<vmem>>
        %dma_start3A_451 = tpu.memref_slice %arg2[%mul3A_431] : memref<1000000xf32, #tpu.memory_space<hbm>> -> memref<16xf32, #tpu.memory_space<hbm>>
        tpu.enqueue_dma source(%dma_start3A_451 : memref<16xf32, #tpu.memory_space<hbm>>) target(%dma_start3A_450 : memref<16xf32, #tpu.memory_space<vmem>>) target_semaphore(%run_scoped3A : memref<!tpu.dma_semaphore, #tpu.memory_space<semaphore_mem>>)
        %dma_wait3A_452 = arith.constant 0 : i32
        %dma_wait3A_453 = tpu.memref_slice %arg6[%dma_wait3A_452] : memref<10416xf32, #tpu.memory_space<vmem>> -> memref<16xf32, #tpu.memory_space<vmem>>
        %dma_wait3A_454 = tpu.memref_slice %arg2[%mul3A_431] : memref<1000000xf32, #tpu.memory_space<hbm>> -> memref<16xf32, #tpu.memory_space<hbm>>
        %dma_wait3A_455 = arith.constant 0 : i32
        %dma_wait3A_456 = tpu.memref_slice %arg6[%dma_wait3A_455] : memref<10416xf32, #tpu.memory_space<vmem>> -> memref<16xf32, #tpu.memory_space<vmem>>
        %dma_wait3A_457 = tpu.memref_slice %arg2[%mul3A_431] : memref<1000000xf32, #tpu.memory_space<hbm>> -> memref<16xf32, #tpu.memory_space<hbm>>
        tpu.wait_dma2 semaphore(%run_scoped3A : memref<!tpu.dma_semaphore, #tpu.memory_space<semaphore_mem>>) src(%dma_wait3A_457 : memref<16xf32, #tpu.memory_space<hbm>>) dst(%dma_wait3A_456 : memref<16xf32, #tpu.memory_space<vmem>>)
        tpu.yield
      }) : () -> ()
      "tpu.region"() ({
        %run_scoped3A = tpu.sem_alloc : memref<!tpu.dma_semaphore, #tpu.memory_space<semaphore_mem>>
        %dma_start3A_446 = arith.constant 0 : i32
        %dma_start3A_447 = tpu.memref_slice %arg7[%dma_start3A_446] : memref<10416xf32, #tpu.memory_space<vmem>> -> memref<16xf32, #tpu.memory_space<vmem>>
        %dma_start3A_448 = tpu.memref_slice %arg3[%mul3A_431] : memref<1000000xf32, #tpu.memory_space<hbm>> -> memref<16xf32, #tpu.memory_space<hbm>>
        %dma_start3A_449 = arith.constant 0 : i32
        %dma_start3A_450 = tpu.memref_slice %arg7[%dma_start3A_449] : memref<10416xf32, #tpu.memory_space<vmem>> -> memref<16xf32, #tpu.memory_space<vmem>>
        %dma_start3A_451 = tpu.memref_slice %arg3[%mul3A_431] : memref<1000000xf32, #tpu.memory_space<hbm>> -> memref<16xf32, #tpu.memory_space<hbm>>
        tpu.enqueue_dma source(%dma_start3A_451 : memref<16xf32, #tpu.memory_space<hbm>>) target(%dma_start3A_450 : memref<16xf32, #tpu.memory_space<vmem>>) target_semaphore(%run_scoped3A : memref<!tpu.dma_semaphore, #tpu.memory_space<semaphore_mem>>)
        %dma_wait3A_452 = arith.constant 0 : i32
        %dma_wait3A_453 = tpu.memref_slice %arg7[%dma_wait3A_452] : memref<10416xf32, #tpu.memory_space<vmem>> -> memref<16xf32, #tpu.memory_space<vmem>>
        %dma_wait3A_454 = tpu.memref_slice %arg3[%mul3A_431] : memref<1000000xf32, #tpu.memory_space<hbm>> -> memref<16xf32, #tpu.memory_space<hbm>>
        %dma_wait3A_455 = arith.constant 0 : i32
        %dma_wait3A_456 = tpu.memref_slice %arg7[%dma_wait3A_455] : memref<10416xf32, #tpu.memory_space<vmem>> -> memref<16xf32, #tpu.memory_space<vmem>>
        %dma_wait3A_457 = tpu.memref_slice %arg3[%mul3A_431] : memref<1000000xf32, #tpu.memory_space<hbm>> -> memref<16xf32, #tpu.memory_space<hbm>>
        tpu.wait_dma2 semaphore(%run_scoped3A : memref<!tpu.dma_semaphore, #tpu.memory_space<semaphore_mem>>) src(%dma_wait3A_457 : memref<16xf32, #tpu.memory_space<hbm>>) dst(%dma_wait3A_456 : memref<16xf32, #tpu.memory_space<vmem>>)
        tpu.yield
      }) : () -> ()
      %get3A_432 = arith.constant 0 : index
      %get3A_433 = tpu.vector_load %arg8[%get3A_432] {strides = array<i32>} : memref<10416xi32, #tpu.memory_space<vmem>>, vector<16xi32>,
      %mul3A_434 = arith.constant 16 : i32
      %mul3A_435 = vector.broadcast %mul3A_434 : i32 to vector<16xi32>
      %mul3A_436 = arith.muli %get3A_433, %mul3A_435 : vector<16xi32>
      %add3A_437 = arith.addi %mul3A_436, %iota3A : vector<16xi32>
      %get3A_438 = arith.constant 0 : index
      %get3A_439 = tpu.vector_load %arg6[%get3A_438] {strides = array<i32>} : memref<10416xf32, #tpu.memory_space<vmem>>, vector<16xf32>,
      %get3A_440 = arith.constant 0 : index
      %get3A_441 = tpu.vector_load %arg7[%get3A_440] {strides = array<i32>} : memref<10416xf32, #tpu.memory_space<vmem>>, vector<16xf32>,
      %sub3A_442 = arith.subf %get3A_439, %get3A_441 : vector<16xf32>
      tpu.vector_store_idx %arg14[%add3A_437], %sub3A_442 {add = true} : memref<512xf32, #tpu.memory_space<vmem>>[vector<16xi32>], vector<16xf32>,
      %add3A_443 = arith.constant 256 : i32
      %add3A_444 = vector.broadcast %add3A_443 : i32 to vector<16xi32>
      %add3A_445 = arith.addi %add3A_437, %add3A_444 : vector<16xi32>
      tpu.vector_store_idx %arg14[%add3A_445], %broadcast_in_dim3A_7 {add = true} : memref<512xf32, #tpu.memory_space<vmem>>[vector<16xi32>], vector<16xf32>,
    } else {
    }
    "tpu.region"() ({
      %run_scoped3A = tpu.sem_alloc : memref<!tpu.dma_semaphore, #tpu.memory_space<semaphore_mem>>
      %dma_start3A_428 = arith.constant 0 : i32
      %dma_start3A_429 = tpu.memref_slice %arg5[%add3A, %dma_start3A_428] : memref<32x512xf32, #tpu.memory_space<hbm>> -> memref<1x512xf32, #tpu.memory_space<hbm>>
      %dma_start3A_430 = tpu.memref_squeeze %dma_start3A_429 : memref<1x512xf32, #tpu.memory_space<hbm>> -> memref<512xf32, #tpu.memory_space<hbm>>
      %dma_start3A_431 = arith.constant 0 : i32
      %dma_start3A_432 = tpu.memref_slice %arg5[%add3A, %dma_start3A_431] : memref<32x512xf32, #tpu.memory_space<hbm>> -> memref<1x512xf32, #tpu.memory_space<hbm>>
      %dma_start3A_433 = tpu.memref_squeeze %dma_start3A_432 : memref<1x512xf32, #tpu.memory_space<hbm>> -> memref<512xf32, #tpu.memory_space<hbm>>
      tpu.enqueue_dma source(%arg14 : memref<512xf32, #tpu.memory_space<vmem>>) target(%dma_start3A_433 : memref<512xf32, #tpu.memory_space<hbm>>) target_semaphore(%run_scoped3A : memref<!tpu.dma_semaphore, #tpu.memory_space<semaphore_mem>>)
      %dma_wait3A_434 = arith.constant 0 : i32
      %dma_wait3A_435 = tpu.memref_slice %arg5[%add3A, %dma_wait3A_434] : memref<32x512xf32, #tpu.memory_space<hbm>> -> memref<1x512xf32, #tpu.memory_space<hbm>>
      %dma_wait3A_436 = tpu.memref_squeeze %dma_wait3A_435 : memref<1x512xf32, #tpu.memory_space<hbm>> -> memref<512xf32, #tpu.memory_space<hbm>>
      %dma_wait3A_437 = arith.constant 0 : i32
      %dma_wait3A_438 = tpu.memref_slice %arg5[%add3A, %dma_wait3A_437] : memref<32x512xf32, #tpu.memory_space<hbm>> -> memref<1x512xf32, #tpu.memory_space<hbm>>
      %dma_wait3A_439 = tpu.memref_squeeze %dma_wait3A_438 : memref<1x512xf32, #tpu.memory_space<hbm>> -> memref<512xf32, #tpu.memory_space<hbm>>
      tpu.wait_dma2 semaphore(%run_scoped3A : memref<!tpu.dma_semaphore, #tpu.memory_space<semaphore_mem>>) src(%arg14 : memref<512xf32, #tpu.memory_space<vmem>>) dst(%dma_wait3A_439 : memref<512xf32, #tpu.memory_space<hbm>>)
      tpu.yield
    }) : () -> ()
    return
  }
}

module attributes {stable_mosaic.version = 14 : i64} {
  func.func @_tc_finalize(%arg0: memref<32x512xf32, #tpu.memory_space<vmem>>, %arg1: memref<1x1xf32, #tpu.memory_space<smem>>) attributes {dimension_semantics = [], scalar_prefetch = 0 : i64, scratch_operands = 0 : i64, tpu.core_type = #tpu.core_type<tc>} {
    %get3A = arith.constant 0 : index
    %get3A_0 = arith.constant 0 : index
    %get3A_1 = vector.load %arg0[%get3A, %get3A_0] : memref<32x512xf32, #tpu.memory_space<vmem>>, vector<32x16xf32>
    %reduce_sum3A = vector.shape_cast %get3A_1 : vector<32x16xf32> to vector<1x32x16xf32>
    %reduce_sum3A_2 = arith.constant dense<0.000000e+00> : vector<1xf32>
    %reduce_sum3A_3 = vector.multi_reduction <add>, %reduce_sum3A, %reduce_sum3A_2 [1, 2] : vector<1x32x16xf32> to vector<1xf32>
    %reduce_sum3A_4 = vector.shape_cast %reduce_sum3A_3 : vector<1xf32> to vector<1x1x1xf32>
    %reduce_sum3A_5 = vector.extract %reduce_sum3A_4[0, 0, 0] : f32 from vector<1x1x1xf32>
    %get3A_6 = arith.constant 0 : index
    %get3A_7 = arith.constant 256 : index
    %get3A_8 = vector.load %arg0[%get3A_6, %get3A_7] : memref<32x512xf32, #tpu.memory_space<vmem>>, vector<32x16xf32>
    %reduce_sum3A_9 = vector.shape_cast %get3A_8 : vector<32x16xf32> to vector<1x32x16xf32>
    %reduce_sum3A_10 = arith.constant dense<0.000000e+00> : vector<1xf32>
    %reduce_sum3A_11 = vector.multi_reduction <add>, %reduce_sum3A_9, %reduce_sum3A_10 [1, 2] : vector<1x32x16xf32> to vector<1xf32>
    %reduce_sum3A_12 = vector.shape_cast %reduce_sum3A_11 : vector<1xf32> to vector<1x1x1xf32>
    %reduce_sum3A_13 = vector.extract %reduce_sum3A_12[0, 0, 0] : f32 from vector<1x1x1xf32>
    %max3A = arith.constant 1.000000e+00 : f32
    %max3A_14 = arith.maximumf %reduce_sum3A_13, %max3A : f32
    %div3A = arith.divf %reduce_sum3A_5, %max3A_14 : f32
    %mul3A = arith.mulf %div3A, %div3A : f32
    %add3A = arith.constant 0.000000e+00 : f32
    %add3A_15 = arith.addf %add3A, %mul3A : f32
    %get3A_16 = arith.constant 0 : index
    %get3A_17 = arith.constant 16 : index
    %get3A_18 = vector.load %arg0[%get3A_16, %get3A_17] : memref<32x512xf32, #tpu.memory_space<vmem>>, vector<32x16xf32>
    %reduce_sum3A_19 = vector.shape_cast %get3A_18 : vector<32x16xf32> to vector<1x32x16xf32>
    %reduce_sum3A_20 = arith.constant dense<0.000000e+00> : vector<1xf32>
    %reduce_sum3A_21 = vector.multi_reduction <add>, %reduce_sum3A_19, %reduce_sum3A_20 [1, 2] : vector<1x32x16xf32> to vector<1xf32>
    %reduce_sum3A_22 = vector.shape_cast %reduce_sum3A_21 : vector<1xf32> to vector<1x1x1xf32>
    %reduce_sum3A_23 = vector.extract %reduce_sum3A_22[0, 0, 0] : f32 from vector<1x1x1xf32>
    %get3A_24 = arith.constant 0 : index
    %get3A_25 = arith.constant 272 : index
    %get3A_26 = vector.load %arg0[%get3A_24, %get3A_25] : memref<32x512xf32, #tpu.memory_space<vmem>>, vector<32x16xf32>
    %reduce_sum3A_27 = vector.shape_cast %get3A_26 : vector<32x16xf32> to vector<1x32x16xf32>
    %reduce_sum3A_28 = arith.constant dense<0.000000e+00> : vector<1xf32>
    %reduce_sum3A_29 = vector.multi_reduction <add>, %reduce_sum3A_27, %reduce_sum3A_28 [1, 2] : vector<1x32x16xf32> to vector<1xf32>
    %reduce_sum3A_30 = vector.shape_cast %reduce_sum3A_29 : vector<1xf32> to vector<1x1x1xf32>
    %reduce_sum3A_31 = vector.extract %reduce_sum3A_30[0, 0, 0] : f32 from vector<1x1x1xf32>
    %max3A_32 = arith.constant 1.000000e+00 : f32
    %max3A_33 = arith.maximumf %reduce_sum3A_31, %max3A_32 : f32
    %div3A_34 = arith.divf %reduce_sum3A_23, %max3A_33 : f32
    %mul3A_35 = arith.mulf %div3A_34, %div3A_34 : f32
    %add3A_36 = arith.addf %add3A_15, %mul3A_35 : f32
    %get3A_37 = arith.constant 0 : index
    %get3A_38 = arith.constant 32 : index
    %get3A_39 = vector.load %arg0[%get3A_37, %get3A_38] : memref<32x512xf32, #tpu.memory_space<vmem>>, vector<32x16xf32>
    %reduce_sum3A_40 = vector.shape_cast %get3A_39 : vector<32x16xf32> to vector<1x32x16xf32>
    %reduce_sum3A_41 = arith.constant dense<0.000000e+00> : vector<1xf32>
    %reduce_sum3A_42 = vector.multi_reduction <add>, %reduce_sum3A_40, %reduce_sum3A_41 [1, 2] : vector<1x32x16xf32> to vector<1xf32>
    %reduce_sum3A_43 = vector.shape_cast %reduce_sum3A_42 : vector<1xf32> to vector<1x1x1xf32>
    %reduce_sum3A_44 = vector.extract %reduce_sum3A_43[0, 0, 0] : f32 from vector<1x1x1xf32>
    %get3A_45 = arith.constant 0 : index
    %get3A_46 = arith.constant 288 : index
    %get3A_47 = vector.load %arg0[%get3A_45, %get3A_46] : memref<32x512xf32, #tpu.memory_space<vmem>>, vector<32x16xf32>
    %reduce_sum3A_48 = vector.shape_cast %get3A_47 : vector<32x16xf32> to vector<1x32x16xf32>
    %reduce_sum3A_49 = arith.constant dense<0.000000e+00> : vector<1xf32>
    %reduce_sum3A_50 = vector.multi_reduction <add>, %reduce_sum3A_48, %reduce_sum3A_49 [1, 2] : vector<1x32x16xf32> to vector<1xf32>
    %reduce_sum3A_51 = vector.shape_cast %reduce_sum3A_50 : vector<1xf32> to vector<1x1x1xf32>
    %reduce_sum3A_52 = vector.extract %reduce_sum3A_51[0, 0, 0] : f32 from vector<1x1x1xf32>
    %max3A_53 = arith.constant 1.000000e+00 : f32
    %max3A_54 = arith.maximumf %reduce_sum3A_52, %max3A_53 : f32
    %div3A_55 = arith.divf %reduce_sum3A_44, %max3A_54 : f32
    %mul3A_56 = arith.mulf %div3A_55, %div3A_55 : f32
    %add3A_57 = arith.addf %add3A_36, %mul3A_56 : f32
    %get3A_58 = arith.constant 0 : index
    %get3A_59 = arith.constant 48 : index
    %get3A_60 = vector.load %arg0[%get3A_58, %get3A_59] : memref<32x512xf32, #tpu.memory_space<vmem>>, vector<32x16xf32>
    %reduce_sum3A_61 = vector.shape_cast %get3A_60 : vector<32x16xf32> to vector<1x32x16xf32>
    %reduce_sum3A_62 = arith.constant dense<0.000000e+00> : vector<1xf32>
    %reduce_sum3A_63 = vector.multi_reduction <add>, %reduce_sum3A_61, %reduce_sum3A_62 [1, 2] : vector<1x32x16xf32> to vector<1xf32>
    %reduce_sum3A_64 = vector.shape_cast %reduce_sum3A_63 : vector<1xf32> to vector<1x1x1xf32>
    %reduce_sum3A_65 = vector.extract %reduce_sum3A_64[0, 0, 0] : f32 from vector<1x1x1xf32>
    %get3A_66 = arith.constant 0 : index
    %get3A_67 = arith.constant 304 : index
    %get3A_68 = vector.load %arg0[%get3A_66, %get3A_67] : memref<32x512xf32, #tpu.memory_space<vmem>>, vector<32x16xf32>
    %reduce_sum3A_69 = vector.shape_cast %get3A_68 : vector<32x16xf32> to vector<1x32x16xf32>
    %reduce_sum3A_70 = arith.constant dense<0.000000e+00> : vector<1xf32>
    %reduce_sum3A_71 = vector.multi_reduction <add>, %reduce_sum3A_69, %reduce_sum3A_70 [1, 2] : vector<1x32x16xf32> to vector<1xf32>
    %reduce_sum3A_72 = vector.shape_cast %reduce_sum3A_71 : vector<1xf32> to vector<1x1x1xf32>
    %reduce_sum3A_73 = vector.extract %reduce_sum3A_72[0, 0, 0] : f32 from vector<1x1x1xf32>
    %max3A_74 = arith.constant 1.000000e+00 : f32
    %max3A_75 = arith.maximumf %reduce_sum3A_73, %max3A_74 : f32
    %div3A_76 = arith.divf %reduce_sum3A_65, %max3A_75 : f32
    %mul3A_77 = arith.mulf %div3A_76, %div3A_76 : f32
    %add3A_78 = arith.addf %add3A_57, %mul3A_77 : f32
    %get3A_79 = arith.constant 0 : index
    %get3A_80 = arith.constant 64 : index
    %get3A_81 = vector.load %arg0[%get3A_79, %get3A_80] : memref<32x512xf32, #tpu.memory_space<vmem>>, vector<32x16xf32>
    %reduce_sum3A_82 = vector.shape_cast %get3A_81 : vector<32x16xf32> to vector<1x32x16xf32>
    %reduce_sum3A_83 = arith.constant dense<0.000000e+00> : vector<1xf32>
    %reduce_sum3A_84 = vector.multi_reduction <add>, %reduce_sum3A_82, %reduce_sum3A_83 [1, 2] : vector<1x32x16xf32> to vector<1xf32>
    %reduce_sum3A_85 = vector.shape_cast %reduce_sum3A_84 : vector<1xf32> to vector<1x1x1xf32>
    %reduce_sum3A_86 = vector.extract %reduce_sum3A_85[0, 0, 0] : f32 from vector<1x1x1xf32>
    %get3A_87 = arith.constant 0 : index
    %get3A_88 = arith.constant 320 : index
    %get3A_89 = vector.load %arg0[%get3A_87, %get3A_88] : memref<32x512xf32, #tpu.memory_space<vmem>>, vector<32x16xf32>
    %reduce_sum3A_90 = vector.shape_cast %get3A_89 : vector<32x16xf32> to vector<1x32x16xf32>
    %reduce_sum3A_91 = arith.constant dense<0.000000e+00> : vector<1xf32>
    %reduce_sum3A_92 = vector.multi_reduction <add>, %reduce_sum3A_90, %reduce_sum3A_91 [1, 2] : vector<1x32x16xf32> to vector<1xf32>
    %reduce_sum3A_93 = vector.shape_cast %reduce_sum3A_92 : vector<1xf32> to vector<1x1x1xf32>
    %reduce_sum3A_94 = vector.extract %reduce_sum3A_93[0, 0, 0] : f32 from vector<1x1x1xf32>
    %max3A_95 = arith.constant 1.000000e+00 : f32
    %max3A_96 = arith.maximumf %reduce_sum3A_94, %max3A_95 : f32
    %div3A_97 = arith.divf %reduce_sum3A_86, %max3A_96 : f32
    %mul3A_98 = arith.mulf %div3A_97, %div3A_97 : f32
    %add3A_99 = arith.addf %add3A_78, %mul3A_98 : f32
    %get3A_100 = arith.constant 0 : index
    %get3A_101 = arith.constant 80 : index
    %get3A_102 = vector.load %arg0[%get3A_100, %get3A_101] : memref<32x512xf32, #tpu.memory_space<vmem>>, vector<32x16xf32>
    %reduce_sum3A_103 = vector.shape_cast %get3A_102 : vector<32x16xf32> to vector<1x32x16xf32>
    %reduce_sum3A_104 = arith.constant dense<0.000000e+00> : vector<1xf32>
    %reduce_sum3A_105 = vector.multi_reduction <add>, %reduce_sum3A_103, %reduce_sum3A_104 [1, 2] : vector<1x32x16xf32> to vector<1xf32>
    %reduce_sum3A_106 = vector.shape_cast %reduce_sum3A_105 : vector<1xf32> to vector<1x1x1xf32>
    %reduce_sum3A_107 = vector.extract %reduce_sum3A_106[0, 0, 0] : f32 from vector<1x1x1xf32>
    %get3A_108 = arith.constant 0 : index
    %get3A_109 = arith.constant 336 : index
    %get3A_110 = vector.load %arg0[%get3A_108, %get3A_109] : memref<32x512xf32, #tpu.memory_space<vmem>>, vector<32x16xf32>
    %reduce_sum3A_111 = vector.shape_cast %get3A_110 : vector<32x16xf32> to vector<1x32x16xf32>
    %reduce_sum3A_112 = arith.constant dense<0.000000e+00> : vector<1xf32>
    %reduce_sum3A_113 = vector.multi_reduction <add>, %reduce_sum3A_111, %reduce_sum3A_112 [1, 2] : vector<1x32x16xf32> to vector<1xf32>
    %reduce_sum3A_114 = vector.shape_cast %reduce_sum3A_113 : vector<1xf32> to vector<1x1x1xf32>
    %reduce_sum3A_115 = vector.extract %reduce_sum3A_114[0, 0, 0] : f32 from vector<1x1x1xf32>
    %max3A_116 = arith.constant 1.000000e+00 : f32
    %max3A_117 = arith.maximumf %reduce_sum3A_115, %max3A_116 : f32
    %div3A_118 = arith.divf %reduce_sum3A_107, %max3A_117 : f32
    %mul3A_119 = arith.mulf %div3A_118, %div3A_118 : f32
    %add3A_120 = arith.addf %add3A_99, %mul3A_119 : f32
    %get3A_121 = arith.constant 0 : index
    %get3A_122 = arith.constant 96 : index
    %get3A_123 = vector.load %arg0[%get3A_121, %get3A_122] : memref<32x512xf32, #tpu.memory_space<vmem>>, vector<32x16xf32>
    %reduce_sum3A_124 = vector.shape_cast %get3A_123 : vector<32x16xf32> to vector<1x32x16xf32>
    %reduce_sum3A_125 = arith.constant dense<0.000000e+00> : vector<1xf32>
    %reduce_sum3A_126 = vector.multi_reduction <add>, %reduce_sum3A_124, %reduce_sum3A_125 [1, 2] : vector<1x32x16xf32> to vector<1xf32>
    %reduce_sum3A_127 = vector.shape_cast %reduce_sum3A_126 : vector<1xf32> to vector<1x1x1xf32>
    %reduce_sum3A_128 = vector.extract %reduce_sum3A_127[0, 0, 0] : f32 from vector<1x1x1xf32>
    %get3A_129 = arith.constant 0 : index
    %get3A_130 = arith.constant 352 : index
    %get3A_131 = vector.load %arg0[%get3A_129, %get3A_130] : memref<32x512xf32, #tpu.memory_space<vmem>>, vector<32x16xf32>
    %reduce_sum3A_132 = vector.shape_cast %get3A_131 : vector<32x16xf32> to vector<1x32x16xf32>
    %reduce_sum3A_133 = arith.constant dense<0.000000e+00> : vector<1xf32>
    %reduce_sum3A_134 = vector.multi_reduction <add>, %reduce_sum3A_132, %reduce_sum3A_133 [1, 2] : vector<1x32x16xf32> to vector<1xf32>
    %reduce_sum3A_135 = vector.shape_cast %reduce_sum3A_134 : vector<1xf32> to vector<1x1x1xf32>
    %reduce_sum3A_136 = vector.extract %reduce_sum3A_135[0, 0, 0] : f32 from vector<1x1x1xf32>
    %max3A_137 = arith.constant 1.000000e+00 : f32
    %max3A_138 = arith.maximumf %reduce_sum3A_136, %max3A_137 : f32
    %div3A_139 = arith.divf %reduce_sum3A_128, %max3A_138 : f32
    %mul3A_140 = arith.mulf %div3A_139, %div3A_139 : f32
    %add3A_141 = arith.addf %add3A_120, %mul3A_140 : f32
    %get3A_142 = arith.constant 0 : index
    %get3A_143 = arith.constant 112 : index
    %get3A_144 = vector.load %arg0[%get3A_142, %get3A_143] : memref<32x512xf32, #tpu.memory_space<vmem>>, vector<32x16xf32>
    %reduce_sum3A_145 = vector.shape_cast %get3A_144 : vector<32x16xf32> to vector<1x32x16xf32>
    %reduce_sum3A_146 = arith.constant dense<0.000000e+00> : vector<1xf32>
    %reduce_sum3A_147 = vector.multi_reduction <add>, %reduce_sum3A_145, %reduce_sum3A_146 [1, 2] : vector<1x32x16xf32> to vector<1xf32>
    %reduce_sum3A_148 = vector.shape_cast %reduce_sum3A_147 : vector<1xf32> to vector<1x1x1xf32>
    %reduce_sum3A_149 = vector.extract %reduce_sum3A_148[0, 0, 0] : f32 from vector<1x1x1xf32>
    %get3A_150 = arith.constant 0 : index
    %get3A_151 = arith.constant 368 : index
    %get3A_152 = vector.load %arg0[%get3A_150, %get3A_151] : memref<32x512xf32, #tpu.memory_space<vmem>>, vector<32x16xf32>
    %reduce_sum3A_153 = vector.shape_cast %get3A_152 : vector<32x16xf32> to vector<1x32x16xf32>
    %reduce_sum3A_154 = arith.constant dense<0.000000e+00> : vector<1xf32>
    %reduce_sum3A_155 = vector.multi_reduction <add>, %reduce_sum3A_153, %reduce_sum3A_154 [1, 2] : vector<1x32x16xf32> to vector<1xf32>
    %reduce_sum3A_156 = vector.shape_cast %reduce_sum3A_155 : vector<1xf32> to vector<1x1x1xf32>
    %reduce_sum3A_157 = vector.extract %reduce_sum3A_156[0, 0, 0] : f32 from vector<1x1x1xf32>
    %max3A_158 = arith.constant 1.000000e+00 : f32
    %max3A_159 = arith.maximumf %reduce_sum3A_157, %max3A_158 : f32
    %div3A_160 = arith.divf %reduce_sum3A_149, %max3A_159 : f32
    %mul3A_161 = arith.mulf %div3A_160, %div3A_160 : f32
    %add3A_162 = arith.addf %add3A_141, %mul3A_161 : f32
    %get3A_163 = arith.constant 0 : index
    %get3A_164 = arith.constant 128 : index
    %get3A_165 = vector.load %arg0[%get3A_163, %get3A_164] : memref<32x512xf32, #tpu.memory_space<vmem>>, vector<32x16xf32>
    %reduce_sum3A_166 = vector.shape_cast %get3A_165 : vector<32x16xf32> to vector<1x32x16xf32>
    %reduce_sum3A_167 = arith.constant dense<0.000000e+00> : vector<1xf32>
    %reduce_sum3A_168 = vector.multi_reduction <add>, %reduce_sum3A_166, %reduce_sum3A_167 [1, 2] : vector<1x32x16xf32> to vector<1xf32>
    %reduce_sum3A_169 = vector.shape_cast %reduce_sum3A_168 : vector<1xf32> to vector<1x1x1xf32>
    %reduce_sum3A_170 = vector.extract %reduce_sum3A_169[0, 0, 0] : f32 from vector<1x1x1xf32>
    %get3A_171 = arith.constant 0 : index
    %get3A_172 = arith.constant 384 : index
    %get3A_173 = vector.load %arg0[%get3A_171, %get3A_172] : memref<32x512xf32, #tpu.memory_space<vmem>>, vector<32x16xf32>
    %reduce_sum3A_174 = vector.shape_cast %get3A_173 : vector<32x16xf32> to vector<1x32x16xf32>
    %reduce_sum3A_175 = arith.constant dense<0.000000e+00> : vector<1xf32>
    %reduce_sum3A_176 = vector.multi_reduction <add>, %reduce_sum3A_174, %reduce_sum3A_175 [1, 2] : vector<1x32x16xf32> to vector<1xf32>
    %reduce_sum3A_177 = vector.shape_cast %reduce_sum3A_176 : vector<1xf32> to vector<1x1x1xf32>
    %reduce_sum3A_178 = vector.extract %reduce_sum3A_177[0, 0, 0] : f32 from vector<1x1x1xf32>
    %max3A_179 = arith.constant 1.000000e+00 : f32
    %max3A_180 = arith.maximumf %reduce_sum3A_178, %max3A_179 : f32
    %div3A_181 = arith.divf %reduce_sum3A_170, %max3A_180 : f32
    %mul3A_182 = arith.mulf %div3A_181, %div3A_181 : f32
    %add3A_183 = arith.addf %add3A_162, %mul3A_182 : f32
    %get3A_184 = arith.constant 0 : index
    %get3A_185 = arith.constant 144 : index
    %get3A_186 = vector.load %arg0[%get3A_184, %get3A_185] : memref<32x512xf32, #tpu.memory_space<vmem>>, vector<32x16xf32>
    %reduce_sum3A_187 = vector.shape_cast %get3A_186 : vector<32x16xf32> to vector<1x32x16xf32>
    %reduce_sum3A_188 = arith.constant dense<0.000000e+00> : vector<1xf32>
    %reduce_sum3A_189 = vector.multi_reduction <add>, %reduce_sum3A_187, %reduce_sum3A_188 [1, 2] : vector<1x32x16xf32> to vector<1xf32>
    %reduce_sum3A_190 = vector.shape_cast %reduce_sum3A_189 : vector<1xf32> to vector<1x1x1xf32>
    %reduce_sum3A_191 = vector.extract %reduce_sum3A_190[0, 0, 0] : f32 from vector<1x1x1xf32>
    %get3A_192 = arith.constant 0 : index
    %get3A_193 = arith.constant 400 : index
    %get3A_194 = vector.load %arg0[%get3A_192, %get3A_193] : memref<32x512xf32, #tpu.memory_space<vmem>>, vector<32x16xf32>
    %reduce_sum3A_195 = vector.shape_cast %get3A_194 : vector<32x16xf32> to vector<1x32x16xf32>
    %reduce_sum3A_196 = arith.constant dense<0.000000e+00> : vector<1xf32>
    %reduce_sum3A_197 = vector.multi_reduction <add>, %reduce_sum3A_195, %reduce_sum3A_196 [1, 2] : vector<1x32x16xf32> to vector<1xf32>
    %reduce_sum3A_198 = vector.shape_cast %reduce_sum3A_197 : vector<1xf32> to vector<1x1x1xf32>
    %reduce_sum3A_199 = vector.extract %reduce_sum3A_198[0, 0, 0] : f32 from vector<1x1x1xf32>
    %max3A_200 = arith.constant 1.000000e+00 : f32
    %max3A_201 = arith.maximumf %reduce_sum3A_199, %max3A_200 : f32
    %div3A_202 = arith.divf %reduce_sum3A_191, %max3A_201 : f32
    %mul3A_203 = arith.mulf %div3A_202, %div3A_202 : f32
    %add3A_204 = arith.addf %add3A_183, %mul3A_203 : f32
    %get3A_205 = arith.constant 0 : index
    %get3A_206 = arith.constant 160 : index
    %get3A_207 = vector.load %arg0[%get3A_205, %get3A_206] : memref<32x512xf32, #tpu.memory_space<vmem>>, vector<32x16xf32>
    %reduce_sum3A_208 = vector.shape_cast %get3A_207 : vector<32x16xf32> to vector<1x32x16xf32>
    %reduce_sum3A_209 = arith.constant dense<0.000000e+00> : vector<1xf32>
    %reduce_sum3A_210 = vector.multi_reduction <add>, %reduce_sum3A_208, %reduce_sum3A_209 [1, 2] : vector<1x32x16xf32> to vector<1xf32>
    %reduce_sum3A_211 = vector.shape_cast %reduce_sum3A_210 : vector<1xf32> to vector<1x1x1xf32>
    %reduce_sum3A_212 = vector.extract %reduce_sum3A_211[0, 0, 0] : f32 from vector<1x1x1xf32>
    %get3A_213 = arith.constant 0 : index
    %get3A_214 = arith.constant 416 : index
    %get3A_215 = vector.load %arg0[%get3A_213, %get3A_214] : memref<32x512xf32, #tpu.memory_space<vmem>>, vector<32x16xf32>
    %reduce_sum3A_216 = vector.shape_cast %get3A_215 : vector<32x16xf32> to vector<1x32x16xf32>
    %reduce_sum3A_217 = arith.constant dense<0.000000e+00> : vector<1xf32>
    %reduce_sum3A_218 = vector.multi_reduction <add>, %reduce_sum3A_216, %reduce_sum3A_217 [1, 2] : vector<1x32x16xf32> to vector<1xf32>
    %reduce_sum3A_219 = vector.shape_cast %reduce_sum3A_218 : vector<1xf32> to vector<1x1x1xf32>
    %reduce_sum3A_220 = vector.extract %reduce_sum3A_219[0, 0, 0] : f32 from vector<1x1x1xf32>
    %max3A_221 = arith.constant 1.000000e+00 : f32
    %max3A_222 = arith.maximumf %reduce_sum3A_220, %max3A_221 : f32
    %div3A_223 = arith.divf %reduce_sum3A_212, %max3A_222 : f32
    %mul3A_224 = arith.mulf %div3A_223, %div3A_223 : f32
    %add3A_225 = arith.addf %add3A_204, %mul3A_224 : f32
    %get3A_226 = arith.constant 0 : index
    %get3A_227 = arith.constant 176 : index
    %get3A_228 = vector.load %arg0[%get3A_226, %get3A_227] : memref<32x512xf32, #tpu.memory_space<vmem>>, vector<32x16xf32>
    %reduce_sum3A_229 = vector.shape_cast %get3A_228 : vector<32x16xf32> to vector<1x32x16xf32>
    %reduce_sum3A_230 = arith.constant dense<0.000000e+00> : vector<1xf32>
    %reduce_sum3A_231 = vector.multi_reduction <add>, %reduce_sum3A_229, %reduce_sum3A_230 [1, 2] : vector<1x32x16xf32> to vector<1xf32>
    %reduce_sum3A_232 = vector.shape_cast %reduce_sum3A_231 : vector<1xf32> to vector<1x1x1xf32>
    %reduce_sum3A_233 = vector.extract %reduce_sum3A_232[0, 0, 0] : f32 from vector<1x1x1xf32>
    %get3A_234 = arith.constant 0 : index
    %get3A_235 = arith.constant 432 : index
    %get3A_236 = vector.load %arg0[%get3A_234, %get3A_235] : memref<32x512xf32, #tpu.memory_space<vmem>>, vector<32x16xf32>
    %reduce_sum3A_237 = vector.shape_cast %get3A_236 : vector<32x16xf32> to vector<1x32x16xf32>
    %reduce_sum3A_238 = arith.constant dense<0.000000e+00> : vector<1xf32>
    %reduce_sum3A_239 = vector.multi_reduction <add>, %reduce_sum3A_237, %reduce_sum3A_238 [1, 2] : vector<1x32x16xf32> to vector<1xf32>
    %reduce_sum3A_240 = vector.shape_cast %reduce_sum3A_239 : vector<1xf32> to vector<1x1x1xf32>
    %reduce_sum3A_241 = vector.extract %reduce_sum3A_240[0, 0, 0] : f32 from vector<1x1x1xf32>
    %max3A_242 = arith.constant 1.000000e+00 : f32
    %max3A_243 = arith.maximumf %reduce_sum3A_241, %max3A_242 : f32
    %div3A_244 = arith.divf %reduce_sum3A_233, %max3A_243 : f32
    %mul3A_245 = arith.mulf %div3A_244, %div3A_244 : f32
    %add3A_246 = arith.addf %add3A_225, %mul3A_245 : f32
    %mul3A_247 = arith.constant 0.0833333358 : f32
    %mul3A_248 = arith.mulf %add3A_246, %mul3A_247 : f32
    %swap3A = arith.constant 0 : index
    %swap3A_249 = arith.constant 0 : index
    %swap3A_250 = memref.load %arg1[%swap3A, %swap3A_249] : memref<1x1xf32, #tpu.memory_space<smem>>
    memref.store %mul3A_248, %arg1[%swap3A, %swap3A_249] : memref<1x1xf32, #tpu.memory_space<smem>>
    return
  }
}

</mosaic_0001>

<sc_bundles>
// kernel: _monthly_loss.4.cloned.1.call-start
scs
__scs_entry_jumppad:
0x0: {  	(pc) =	sbr.rel $0x88, $3  }
0x1: {  	(tag) =	ssettag $0x0;
	lr =	simm.s32 $0x1  }
0x2: {  	[smem:$0x3F9E] =	sst lr;
	_ =	strace $0xD0000000  }
0x3: {  	_ = 	snop  }
0x4: {  	_ = 	snop  }
0x5: {  	_ = 	snop  }
0x6: {  	_ = 	snop  }
0x7: {  	_ = 	snop  }
__scs_overlays_trampoline_lowered:
0x8: {  	[smem:$0x3FAD] =	sst s0  }
0x9: {  	[smem:$0x3FAE] =	sst s1  }
0xa: {  	[smem:$0x3FAF] =	sst s2  }
0xb: {  	[smem:$0x3FB0] =	sst s3  }
0xc: {  	[smem:$0x3FB1] =	sst s4  }
0xd: {  	[smem:$0x3FB2] =	sst s5  }
0xe: {  	[smem:$0x3FB3] =	sst s6  }
0xf: {  	[smem:$0x3FB4] =	sst s7  }
0x10: {  	[smem:$0x3FB5] =	sst s8  }
0x11: {  	[smem:$0x3FB6] =	sst s9;
	s0 =	simm.s32 @!p0 $0x0  }
0x12: {  	s1 =	sld [smem:$0x3F9C];
	s0 =	simm.s32 @p0 $0x1  }
0x13: {  	[smem:$0x3FB7] =	sst s0;
	s0 =	simm.s32 @!p1 $0x0  }
0x14: {  	s2 =	sld [smem:$0x3F9B];
	s0 =	simm.s32 @p1 $0x1  }
0x15: {  	[smem:$0x3FB8] =	sst s0;
	s0 =	simm.s32 @!p2 $0x0  }
0x16: {  	s3 =	sld [smem:$0x3FDB];
	s0 =	simm.s32 @p2 $0x1  }
0x17: {  	s4 =	simm.s32 $0x1BF5;
	[smem:$0x3FBA] =	sst s0  }
0x18: {  	s0 =	sld [smem:$0x3F9D];
	_ =	swait.ge [sflag:s4], $0x0  }
0x19: {  	s7 =	sld [smem:$0x3F9E]  }
0x1a: {  	s8 =	sadd.s32 $0xFFFFE003, lr  }
0x1b: {  	s9 =	sadd.s32 $0xFFFFFEF7, lr;
	s5 =	simm.s32 $0xFFFFFFFF;
	p2 =	slt.u32 s8, $0xFFFFF086  }
0x1c: {  	p1 =	slt.u32 s9, $0xF7A;
	s5 =	simm.s32 @!p2 $0x0  }
0x1d: {  	s5 =	simm.s32 @p1 $0x1;
	p0 =	seq.s32 s7, s2  }
0x1e: {  	s7 =	smul.u32 @!p0 $0xF7A, s2;
	p2 =	seq.s32 @!p0 s5, $0x0  }
0x1f: {  	s9 =	smul.u32 $0xF7A, s1;
	s8 =	simm.s32 @!p0 $0x1BF5;
	p2 =	por !p2, p0  }
0x20: {  	[sflag:s8] =	ssyncset.s32 @!p0 $0xFFFFF086;
	s6 =	sadd.s32 @!p0 s3, s7;
	s7 =	simm.s32 @!p0 $0x108  }
0x21: {  	s3 =	sadd.s32 s3, s9;
	s6 =	sadd.s32 @!p0 $0x88, s6;
	s7 =	simm.s32 @p2 $0x1082  }
0x22: {  	[simem:s7], [sflag:s8] =	dma.local @!p0 [hbm:s6], $0xF7A  }
0x23: {  	s9 =	sor.u32 $0xD0000000, s2;
	s6 =	simm.s32 $0x108;
	_ =	swait.ge @!p0 [sflag:s8], $0x0  }
0x24: {  	s3 =	sadd.s32 $0x88, s3;
	s6 =	simm.s32 @!p1 $0x1082;
	[sflag:s4] =	ssyncset.s32 $0xFFFFF086  }
0x25: {  	[simem:s6], [sflag:s4] =	dma.local [hbm:s3], $0xF7A  }
0x26: {  	[smem:$0x3F9E] =	sst s1;
	(tag) =	ssettag s2;
	_ =	strace s9  }
0x27: {  	s1 =	sld [smem:$0x3FAE]  }
0x28: {  	s2 =	sld [smem:$0x3FAF]  }
0x29: {  	s4 =	sld [smem:$0x3FB1]  }
0x2a: {  	p0 =	seq.s32 s5, $0x0;
	s5 =	sld [smem:$0x3FB2]  }
0x2b: {  	s6 =	sld [smem:$0x3FB3]  }
0x2c: {  	s7 =	sld [smem:$0x3FB4]  }
0x2d: {  	s3 =	simm.s32 $0x108;
	s8 =	sld [smem:$0x3FB5]  }
0x2e: {  	s3 =	simm.s32 @!p0 $0x1082;
	s9 =	sld [smem:$0x3FB6]  }
0x2f: {  	lr =	sadd.s32 s0, s3;
	s0 =	sld [smem:$0x3FAD]  }
0x30: {  	s3 =	sld [smem:$0x3FB0]  }
0x31: {  	[smem:$0x3FB9] =	sst s10  }
0x32: {  	s10 =	sld [smem:$0x3FB7];
	_ =	sdelay $0x3  }
0x33: {  	p0 =	seq.s32 s10, $0x1;
	s10 =	sld [smem:$0x3FB9];
	_ =	sdelay $0x3  }
0x34: {  	[smem:$0x3FB9] =	sst s10  }
0x35: {  	s10 =	sld [smem:$0x3FB8];
	_ =	sdelay $0x3  }
0x36: {  	p1 =	seq.s32 s10, $0x1;
	s10 =	sld [smem:$0x3FB9];
	_ =	sdelay $0x3  }
0x37: {  	[smem:$0x3FB9] =	sst s10  }
0x38: {  	s10 =	sld [smem:$0x3FBA]  }
0x39: {  	_ = 	snop;
	(pc) =	sbr.ind lr, $3  }
0x3a: {  	_ = 	snop  }
0x3b: {  	_ = 	snop  }
0x3c: {  	p2 =	seq.s32 s10, $0x1;
	s10 =	sld [smem:$0x3FB9]  }
0x3d: {  	_ =	shalt  }
0x3e: {  	_ =	shalt  }
0x3f: {  	_ =	shalt  }
0x40: {  	_ =	shalt  }
0x41: {  	_ =	shalt  }
0x42: {  	_ =	shalt  }
0x43: {  	_ =	shalt  }
0x44: {  	_ =	shalt  }
0x45: {  	_ =	shalt  }
0x46: {  	_ =	shalt  }
0x47: {  	_ =	shalt  }
0x48: {  	_ =	shalt  }
0x49: {  	_ =	shalt  }
0x4a: {  	_ =	shalt  }
0x4b: {  	_ =	shalt  }
0x4c: {  	_ =	shalt  }
0x4d: {  	_ =	shalt  }
0x4e: {  	_ =	shalt  }
0x4f: {  	_ =	shalt  }
0x50: {  	_ =	shalt  }
0x51: {  	_ =	shalt  }
0x52: {  	_ =	shalt  }
0x53: {  	_ =	shalt  }
0x54: {  	_ =	shalt  }
0x55: {  	_ =	shalt  }
0x56: {  	_ =	shalt  }
0x57: {  	_ =	shalt  }
0x58: {  	_ =	shalt  }
0x59: {  	_ =	shalt  }
0x5a: {  	_ =	shalt  }
0x5b: {  	_ =	shalt  }
0x5c: {  	_ =	shalt  }
0x5d: {  	_ =	shalt  }
0x5e: {  	_ =	shalt  }
0x5f: {  	_ =	shalt  }
0x60: {  	_ =	shalt  }
0x61: {  	_ =	shalt  }
0x62: {  	_ =	shalt  }
0x63: {  	_ =	shalt  }
0x64: {  	_ =	shalt  }
0x65: {  	_ =	shalt  }
0x66: {  	_ =	shalt  }
0x67: {  	_ =	shalt  }
0x68: {  	_ =	shalt  }
0x69: {  	_ =	shalt  }
0x6a: {  	_ =	shalt  }
0x6b: {  	_ =	shalt  }
0x6c: {  	_ =	shalt  }
0x6d: {  	_ =	shalt  }
0x6e: {  	_ =	shalt  }
0x6f: {  	_ =	shalt  }
0x70: {  	_ =	shalt  }
0x71: {  	_ =	shalt  }
0x72: {  	_ =	shalt  }
0x73: {  	_ =	shalt  }
0x74: {  	_ =	shalt  }
0x75: {  	_ =	shalt  }
0x76: {  	_ =	shalt  }
0x77: {  	_ =	shalt  }
0x78: {  	_ =	shalt  }
0x79: {  	_ =	shalt  }
0x7a: {  	_ =	shalt  }
0x7b: {  	_ =	shalt  }
0x7c: {  	_ =	shalt  }
0x7d: {  	_ =	shalt  }
0x7e: {  	_ =	shalt  }
0x7f: {  	_ =	shalt  }
0x80: {  	_ =	shalt  }
0x81: {  	_ =	shalt  }
0x82: {  	_ =	shalt  }
0x83: {  	_ =	shalt  }
0x84: {  	_ =	shalt  }
0x85: {  	_ =	shalt  }
0x86: {  	_ =	shalt  }
0x87: {  	_ =	shalt  }
.Lfunc_end0:
.L_simem_size_0:
called_computation_lowered:
.L_overlay_start_0:
0x88: {  	s2 =	sld [smem:$0x3FD9]  }
0x89: {  	s3 =	sld [smem:$0x3FFE];
	_ =	sdelay $0x1  }
0x8a: {  	s1 =	srdreg.scid  }
0x8b: {  	s0 =	sand.u32 $0x1, s1  }
0x8c: {  	s17 =	sshll.u32 s0, $0xA;
	s2 =	sadd.s32 s3, s2  }
0x8d: {  	s2 =	sadd.s32 s2, s17  }
0x8e: {  	[smem:$0x3FC5] =	sst s2  }
0x8f: {  	_ = 	snop  }
0x90: {  	s2 =	sld [smem:$0x3FC9]  }
0x91: {  	s18 =	sld [smem:$0x3FC8]  }
0x92: {  	s4 =	sld [smem:$0x3FC7];
	(tm) =	ssettm $0x1  }
0x93: {  	s5 =	sld [smem:$0x3FFB];
	_ =	sdelay $0x3  }
0x94: {  	_ =	strace s5  }
0x95: {  	s5 =	sld [smem:$0x3FFC];
	_ =	sdelay $0x3  }
0x96: {  	_ =	strace s5  }
0x97: {  	s5 =	sld [smem:$0x3FFD];
	_ =	sdelay $0x3  }
0x98: {  	_ =	strace s5  }
0x99: {  	_ =	strace $0x8FFFFFFF  }
0x9a: {  	s19 =	sld [smem:$0x3FDB];
	_ =	sdelay $0x1  }
0x9b: {  	s6 =	simm.s32 $_scs_section_size  }
0x9c: {  	s7 =	simm.s32 $_size__tile_overlayer_lowered;
	s8 =	simm.s32 $_tile_overlayer_lowered  }
0x9d: {  	s22 =	simm.s32 $0x1BFF;
	s21 =	sshll.u32 s8, $0x1;
	s5 =	sadd.s32 s6, s19  }
0x9e: {  	s9 =	simm.s32 $0x0;
	s20 =	sshll.u32 s7, $0x1;
	s7 =	sadd.s32 s21, s5  }
0x9f: {  	[timem:s9], [sflag:s22] =	dma.local [hbm:s7], s20  }
0xa0: {  	_ =	swait.ge [sflag:s22], s20  }
0xa1: {  	s6 =	ssub.s32 $0x0, s20;
	[sflag:s22] =	ssyncset.done $0x0  }
0xa2: {  	[sflag:s22] =	ssyncadd.s32 s6;
	_ =	sdelay $0x1  }
0xa3: {  	s23 =	simm.s32 $0x1B8B  }
0xa4: {  	_ =	swait.ge [sflag:s23], $0x1  }
0xa5: {  	[sflag:s23] =	ssyncset.done $0x0  }
0xa6: {  	s25 =	simm.s32 $0x1B8E;
	s24 =	sld [smem:$0x3FFE];
	[sflag:s23] =	ssyncadd.s32 $0xFFFFFFFF  }
0xa7: {  	s26 =	simm.s32 $execute0_lowered;
	[smem:$0x3FD2] =	sst s25  }
0xa8: {  	s7 =	sshll.u32 s26, $0x1;
	_ =	strace $0x80000046;
	[dreg:$0x1] =	wrdreg $0xFFFFFFFF  }
0xa9: {  	s28 =	simm.s32 $_size_execute0_lowered;
	s5 =	sadd.s32 s5, s7;
	[dreg:$0x0] =	wrdreg $0x0  }
0xaa: {  	s7 =	sshll.u32 s28, $0x1;
	[dreg:$0x2] =	wrdreg s5  }
0xab: {  	[dreg:$0x3] =	wrdreg s7  }
0xac: {  	[dreg:$0x4] =	wrdreg $0xC0  }
0xad: {  	_ =	task [dreg:s9], $0x5FFFF  }
0xae: {  	[dreg:$0x1] =	wrdreg $0xFFFFFFFF  }
0xaf: {  	[dreg:$0x0] =	wrdreg $0x60  }
0xb0: {  	[dreg:$0x2] =	wrdreg s2  }
0xb1: {  	[dreg:$0x3] =	wrdreg s18  }
0xb2: {  	[dreg:$0x4] =	wrdreg s4  }
0xb3: {  	[dreg:$0x5] =	wrdreg s24  }
0xb4: {  	[dreg:$0x6] =	wrdreg $0x9  }
0xb5: {  	_ =	task.clear_ibuf [dreg:s9], $0x7FFFF;
	_ =	strace $0x90000046  }
0xb6: {  	s29 =	simm.s32 $0x9;
	_ =	strace $0x80000048  }
0xb7: {  	_ =	swait.ge [sflag:s29], $0x1  }
0xb8: {  	[sflag:s29] =	ssyncadd.s32 $0xFFFFFFFF  }
0xb9: {  	_ =	strace $0x90000048  }
0xba: {  	_ =	sfence  }
0xbb: {  	s30 =	sld [smem:$0x0];
	_ =	sdelay $0x2  }
0xbc: {  	s31 =	sshll.u32 s1, $0xD;
	s1 =	sshrl.u32 s1, $0x2  }
0xbd: {  	s3 =	sand.u32 $0x4000, s31;
	s1 =	sadd.s32 s1, s30  }
0xbe: {  	s0 =	sor.u32 s3, s0;
	s1 =	sshll.u32 s1, $0x11  }
0xbf: {  	s0 =	sor.u32 s1, s0  }
0xc0: {  	s0 =	sadd.s32 $0x8F2B, s0  }
0xc1: {  	[sflag:s0] =	ssyncadd.remote.s32 $0x1  }
0xc2: {  	_ =	sfence.sel $0xFFFF  }
0xc3: {  	[dreg:$0x0] =	wrdreg $0xFFFFFFFF;
	(pc) =	sbr.abs _section_cstart, $3  }
0xc4: {  	[dreg:$0x1] =	wrdreg $0xFFFFFFFF  }
0xc5: {  	_ =	task.clear_ibuf [dreg:s9], $0x2FFFF;
	_ =	strace $0x9FFFFFFF  }
0xc6: {  	(tm) =	ssettm $0x7FFFFFFF  }
0xc7: {  	_ =	shalt  }
tec
execute0_lowered:
.L_overlay_start_1:
0x0: {  	(tag) =	ssettag $0x1  }
0x1: {  	s13 =	rddreg [dreg:$0x0]  }
0x2: {  	s14 =	rddreg [dreg:$0x1]  }
0x3: {  	s12 =	rddreg [dreg:$0x2]  }
0x4: {  	s3 =	rddreg [dreg:$0x3]  }
0x5: {  	s1 =	srdreg.scid;
	s2 =	simm.s32 $0x0;
	s20 =	simm.s32 $0x7B00  }
0x6: {  	s21 =	simm.s32 $0xA400;
	s22 =	simm.s32 $0xCD00;
	s23 =	simm.s32 $0xF600  }
0x7: {  	s24 =	simm.s32 $0x2;
	s26 =	simm.s32 $0x400;
	s28 =	simm.s32 $0x3  }
0x8: {  	s29 =	simm.s32 $0x0;
	s4 =	sand.u32 $0x1, s1;
	[smem:$0x7FF] =	sst s2  }
0x9: {  	s1 =	stileid.u32;
	s5 =	sshll.u32 s4, $0x4;
	_ =	strace $0x80000047  }
0xa: {  	s6 =	sshll.u32 s1, $0x4;
	s4 =	ssub.s32 $0x2, s4;
	s25 =	sor.u32 s1, s5  }
0xb: {  	s6 =	sand.u32 $0x70, s6;
	s8 =	sshrl.u32 s4, $0x1;
	s5 =	smul.u32 $0x7A1, s25  }
0xc: {  	s7 =	smin.u32 s25, $0x4;
	s15 =	sadd.s32 s6, s3;
	s16 =	ssub.s32 s4, s8  }
0xd: {  	s19 =	sshll.u32 s25, $0x6;
	p0 =	sgt.u32 s25, $0x3;
	s25 =	simm.s32 $0x80  }
0xe: {  	s31 =	sand.u32 $0x600, s19;
	s16 =	smax.u32 s16, $0x1;
	s5 =	sadd.s32 s7, s5  }
0xf: {  	s19 =	simm.s32 $0x1;
	s15 =	sadd.s32 s31, s15;
	s11 =	sshll.u32 s5, $0x1  }
0x10: {  	s15 =	sadd.s32 $0x600, s15;
	s3 =	sadd.s32 s13, s11;
	s4 =	sadd.s32 s14, s11  }
0x11: {  	s30 =	sadd.s32 $0x516, s11;
	s5 =	sadd.s32 s12, s11;
	s17 =	sadd.s32 $0xA2C, s11  }
0x12: {  	s18 =	sadd.s32 $0xF42, s11;
	s6 =	sadd.s32 s13, s30;
	s7 =	sadd.s32 s14, s30  }
0x13: {  	s8 =	sadd.s32 s12, s30;
	s9 =	sadd.s32 s13, s17;
	s10 =	sadd.s32 s14, s17  }
0x14: {  	v0 =	vlaneseq.u32;
	s11 =	sadd.s32 s12, s17;
	s12 =	sadd.s32 s12, s18;
	s13 =	sadd.s32 s13, s18  }
0x15: {  	v1 =	vimm.f32 $0.0e+00;
	v3 =	vimm.f32 $1.000000000e+00;
	v2 =	vor.u32 $0x100, v0;
	s14 =	sadd.s32 s14, s18;
	s17 =	simm.s32 $0x2900;
	s18 =	simm.s32 $0x5200  }
.LBB2_1:
0x16: {  	[tilespmem:$0xF600] =	vst v1  }
0x17: {  	[tilespmem:$0xF610] =	vst v1  }
0x18: {  	[tilespmem:$0xF620] =	vst v1  }
0x19: {  	[tilespmem:$0xF630] =	vst v1  }
0x1a: {  	[tilespmem:$0xF640] =	vst v1  }
0x1b: {  	[tilespmem:$0xF650] =	vst v1  }
0x1c: {  	[tilespmem:$0xF660] =	vst v1  }
0x1d: {  	[tilespmem:$0xF670] =	vst v1  }
0x1e: {  	[tilespmem:$0xF680] =	vst v1  }
0x1f: {  	[tilespmem:$0xF690] =	vst v1  }
0x20: {  	[tilespmem:$0xF6A0] =	vst v1  }
0x21: {  	[tilespmem:$0xF6B0] =	vst v1  }
0x22: {  	[tilespmem:$0xF6C0] =	vst v1  }
0x23: {  	[tilespmem:$0xF6D0] =	vst v1  }
0x24: {  	[tilespmem:$0xF6E0] =	vst v1  }
0x25: {  	[tilespmem:$0xF6F0] =	vst v1  }
0x26: {  	[tilespmem:$0xF700] =	vst v1  }
0x27: {  	[tilespmem:$0xF710] =	vst v1  }
0x28: {  	[tilespmem:$0xF720] =	vst v1  }
0x29: {  	[tilespmem:$0xF730] =	vst v1  }
0x2a: {  	[tilespmem:$0xF740] =	vst v1  }
0x2b: {  	[tilespmem:$0xF750] =	vst v1  }
0x2c: {  	[tilespmem:$0xF760] =	vst v1  }
0x2d: {  	[tilespmem:$0xF770] =	vst v1  }
0x2e: {  	[tilespmem:$0xF780] =	vst v1  }
0x2f: {  	[tilespmem:$0xF790] =	vst v1  }
0x30: {  	[tilespmem:$0xF7A0] =	vst v1  }
0x31: {  	[tilespmem:$0xF7B0] =	vst v1  }
0x32: {  	[tilespmem:$0xF7C0] =	vst v1  }
0x33: {  	[tilespmem:$0xF7D0] =	vst v1  }
0x34: {  	[tilespmem:$0xF7E0] =	vst v1  }
0x35: {  	[tilespmem:$0xF7F0] =	vst v1  }
0x36: {  	[tilespmem:s2], [sflag:$0x1] =	stream.linear.gather [hbm4b:s3+s2], $0x28B0, $0x38;
	[tilespmem:$0xF800] =	vst v63  }
0x37: {  	_ = 	snop  }
0x38: {  	[tilespmem:s17], [sflag:$0x1] =	stream.linear.gather [hbm4b:s4+s2], $0x28B0, $0x38;
	[tilespmem:$0xF800] =	vst v63  }
0x39: {  	_ = 	snop  }
0x3a: {  	[tilespmem:s18], [sflag:$0x1] =	stream.linear.gather [hbm4b:s5+s2], $0x28B0, $0x38;
	[tilespmem:$0xF800] =	vst v63  }
0x3b: {  	_ =	swait.ge [sflag:s19], $0x28B0  }
0x3c: {  	[sflag:s19] =	ssyncset.done $0x0  }
0x3d: {  	[sflag:s19] =	ssyncadd.s32 $0xFFFFD750  }
0x3e: {  	_ =	swait.ge [sflag:s19], $0x28B0  }
0x3f: {  	[sflag:s19] =	ssyncset.done $0x0  }
0x40: {  	[sflag:s19] =	ssyncadd.s32 $0xFFFFD750  }
0x41: {  	_ =	swait.ge [sflag:s19], $0x28B0  }
0x42: {  	[sflag:s19] =	ssyncset.done $0x0  }
0x43: {  	[sflag:s19] =	ssyncadd.s32 $0xFFFFD750  }
0x44: {  	[tilespmem:s20], [sflag:$0x2] =	stream.linear.gather [hbm4b:s6+s2], $0x28B0, $0x38;
	[tilespmem:$0xF800] =	vst v63  }
0x45: {  	_ = 	snop  }
0x46: {  	[tilespmem:s21], [sflag:$0x2] =	stream.linear.gather [hbm4b:s7+s2], $0x28B0, $0x38;
	[tilespmem:$0xF800] =	vst v63  }
0x47: {  	_ = 	snop  }
0x48: {  	[tilespmem:s22], [sflag:$0x2] =	stream.linear.gather [hbm4b:s8+s2], $0x28B0, $0x38;
	[tilespmem:$0xF800] =	vst v63  }
0x49: {  	v4 =	vld [tilespmem:$0x5200]  }
0x4a: {  	v5 =	vld [tilespmem:$0x5210]  }
0x4b: {  	v6 =	vld [tilespmem:$0x5220]  }
0x4c: {  	v7 =	vld [tilespmem:$0x5230]  }
0x4d: {  	v8 =	vld [tilespmem:$0x5240]  }
0x4e: {  	v9 =	vld [tilespmem:$0x5250]  }
0x4f: {  	v10 =	vld [tilespmem:$0x5260]  }
0x50: {  	v11 =	vld [tilespmem:$0x0]  }
0x51: {  	v12 =	vld [tilespmem:$0x10]  }
0x52: {  	v13 =	vld [tilespmem:$0x20]  }
0x53: {  	v14 =	vld [tilespmem:$0x30]  }
0x54: {  	v15 =	vld [tilespmem:$0x40]  }
0x55: {  	v16 =	vld [tilespmem:$0x50]  }
0x56: {  	v17 =	vld [tilespmem:$0x60]  }
0x57: {  	v18 =	vld [tilespmem:$0x2900]  }
0x58: {  	v19 =	vld [tilespmem:$0x2910]  }
0x59: {  	v20 =	vld [tilespmem:$0x2920]  }
0x5a: {  	v21 =	vld [tilespmem:$0x2930]  }
0x5b: {  	v22 =	vld [tilespmem:$0x2940]  }
0x5c: {  	v23 =	vld [tilespmem:$0x2950]  }
0x5d: {  	s30 =	simm.s32 $0x0;
	v24 =	vld [tilespmem:$0x2960]  }
0x5e: {  	v25 =	vld [tilespmem:s30+$0x29C0]  }
0x5f: {  	v26 =	vld [tilespmem:s30+$0x29D0]  }
0x60: {  	v27 =	vld [tilespmem:s30+$0x29B0]  }
0x61: {  	v28 =	vld [tilespmem:s30+$0x29A0]  }
0x62: {  	v29 =	vld [tilespmem:s30+$0x2990]  }
0x63: {  	v30 =	vld [tilespmem:s30+$0x2980]  }
0x64: {  	v31 =	vld [tilespmem:s30+$0x2970]  }
0x65: {  	v32 =	vld [tilespmem:s30+$0xD0]  }
0x66: {  	v33 =	vld [tilespmem:s30+$0xC0]  }
0x67: {  	v34 =	vld [tilespmem:s30+$0xB0]  }
0x68: {  	v35 =	vld [tilespmem:s30+$0xA0]  }
0x69: {  	v36 =	vld [tilespmem:s30+$0x90]  }
0x6a: {  	v37 =	vld [tilespmem:s30+$0x80]  }
0x6b: {  	v38 =	vld [tilespmem:s30+$0x52D0]  }
0x6c: {  	v39 =	vld [tilespmem:s30+$0x70]  }
0x6d: {  	v40 =	vld [tilespmem:s30+$0x52C0];
	v4 =	vshll.u32 v4, $0x4  }
0x6e: {  	v42 =	vld [tilespmem:s30+$0x5290];
	v41 =	vor.u32 v0, v4  }
0x6f: {  	v43 =	vld [tilespmem:s30+$0x52B0];
	v5 =	vshll.u32 v5, $0x4;
	v4 =	vadd.s32 v2, v4  }
0x70: {  	v45 =	vld [tilespmem:s30+$0x52A0];
	v44 =	vor.u32 v0, v5  }
0x71: {  	v46 =	vld [tilespmem:s30+$0x5270];
	v11 =	vsub.f32 v11, v18;
	v6 =	vshll.u32 v6, $0x4;
	v5 =	vadd.s32 v2, v5  }
0x72: {  	v18 =	vld [tilespmem:s30+$0x5280];
	v47 =	vor.u32 v0, v6  }
0x73: {  	v7 =	vshll.u32 v7, $0x4;
	v6 =	vadd.s32 v2, v6;
	[tilespmem:v41+s23+$0x0] =	vst.idx.add.f32.msk $0xffff, v11;
	v11 =	vsub.f32 v12, v19  }
0x74: {  	v12 =	vsub.f32 v13, v20;
	v13 =	vor.u32 v0, v7;
	[tilespmem:v4+s23+$0x0] =	vst.idx.add.f32.msk $0xffff, v3  }
0x75: {  	v4 =	vshll.u32 v8, $0x4;
	v8 =	vadd.s32 v2, v7;
	[tilespmem:v44+s23+$0x0] =	vst.idx.add.f32.msk $0xffff, v11  }
0x76: {  	v11 =	vsub.f32 v14, v21;
	[tilespmem:v5+s23+$0x0] =	vst.idx.add.f32.msk $0xffff, v3;
	v5 =	vor.u32 v0, v4  }
0x77: {  	v7 =	vshll.u32 v9, $0x4;
	v14 =	vsub.f32 v15, v22;
	v15 =	vadd.s32 v2, v4;
	[tilespmem:v47+s23+$0x0] =	vst.idx.add.f32.msk $0xffff, v12  }
0x78: {  	[tilespmem:v6+s23+$0x0] =	vst.idx.add.f32.msk $0xffff, v3;
	v6 =	vor.u32 v0, v7  }
0x79: {  	[tilespmem:v13+s23+$0x0] =	vst.idx.add.f32.msk $0xffff, v11  }
0x7a: {  	v19 =	vsub.f32 v17, v24;
	[tilespmem:v8+s23+$0x0] =	vst.idx.add.f32.msk $0xffff, v3  }
0x7b: {  	v20 =	vshll.u32 v10, $0x4;
	v17 =	vadd.s32 v2, v7;
	v12 =	vsub.f32 v16, v23;
	[tilespmem:v5+s23+$0x0] =	vst.idx.add.f32.msk $0xffff, v14  }
0x7c: {  	v63 =	vor.u32 v0, v20;
	[tilespmem:v15+s23+$0x0] =	vst.idx.add.f32.msk $0xffff, v3  }
0x7d: {  	v10 =	vsub.f32 v36, v29;
	[tilespmem:v6+s23+$0x0] =	vst.idx.add.f32.msk $0xffff, v12;
	v12 =	vshll.u32 v18, $0x4;
	v18 =	vadd.s32 v2, v20  }
0x7e: {  	v9 =	vsub.f32 v35, v28;
	v4 =	vsub.f32 v32, v26;
	v16 =	vshll.u32 v43, $0x4  }
0x7f: {  	v7 =	vsub.f32 v33, v25;
	v13 =	vsub.f32 v37, v30;
	v11 =	vshll.u32 v38, $0x4  }
0x80: {  	v8 =	vsub.f32 v34, v27;
	v14 =	vshll.u32 v40, $0x4;
	v5 =	vshll.u32 v45, $0x4;
	[tilespmem:v17+s23+$0x0] =	vst.idx.add.f32.msk $0xffff, v3  }
0x81: {  	s30 =	simm.s32 $0x1C0;
	v15 =	vsub.f32 v39, v31;
	v6 =	vshll.u32 v42, $0x4;
	v17 =	vshll.u32 v46, $0x4;
	[tilespmem:v63+s23+$0x0] =	vst.idx.add.f32.msk $0xffff, v19  }
.LBB2_2:
0x82: {  	s31 =	sshra.s32 s30, $0x2;
	v19 =	vor.u32 v0, v17;
	p1 =	sne.s32 s30, $0x9F40;
	s30 =	sadd.s32 $0x1C0, s30;
	[tilespmem:v18+s23+$0x0] =	vst.idx.add.f32.msk $0xffff, v3;
	v20 =	vmovc v4;
	v21 =	vmov v7;
	v18 =	vmov v8  }
0x83: {  	v17 =	vadd.s32 v2, v17;
	v22 =	vmovc v9;
	v23 =	vmovc v10;
	v24 =	vmov v13;
	v25 =	vmov v11;
	v7 =	vld [tilespmem:s31+$0x29C0]  }
0x84: {  	v26 =	vor.u32 v0, v12;
	v27 =	vmovc v15;
	v28 =	vmov v14;
	v29 =	vmov v16;
	v4 =	vld [tilespmem:s31+$0x29D0]  }
0x85: {  	v8 =	vld [tilespmem:s31+$0x29B0]  }
0x86: {  	v9 =	vld [tilespmem:s31+$0x29A0]  }
0x87: {  	v10 =	vld [tilespmem:s31+$0x2990]  }
0x88: {  	v11 =	vld [tilespmem:s31+$0x2980]  }
0x89: {  	v14 =	vld [tilespmem:s31+$0x2970]  }
0x8a: {  	v13 =	vld [tilespmem:s31+$0xD0]  }
0x8b: {  	v15 =	vld [tilespmem:s31+$0xC0]  }
0x8c: {  	v16 =	vld [tilespmem:s31+$0xB0]  }
0x8d: {  	v30 =	vld [tilespmem:s31+$0xA0]  }
0x8e: {  	v31 =	vld [tilespmem:s31+$0x90]  }
0x8f: {  	v32 =	vld [tilespmem:s31+$0x80];
	v4 =	vsub.f32 v13, v4  }
0x90: {  	v33 =	vld [tilespmem:s31+$0x52D0];
	v7 =	vsub.f32 v15, v7  }
0x91: {  	v15 =	vld [tilespmem:s31+$0x70];
	v8 =	vsub.f32 v16, v8  }
0x92: {  	v16 =	vld [tilespmem:s31+$0x52C0];
	v9 =	vsub.f32 v30, v9  }
0x93: {  	v30 =	vld [tilespmem:s31+$0x5290];
	v10 =	vsub.f32 v31, v10  }
0x94: {  	v31 =	vld [tilespmem:s31+$0x52B0];
	v13 =	vsub.f32 v32, v11  }
0x95: {  	v32 =	vld [tilespmem:s31+$0x52A0];
	v11 =	vshll.u32 v33, $0x4  }
0x96: {  	v12 =	vadd.s32 v2, v12;
	v33 =	vld [tilespmem:s31+$0x5280];
	v15 =	vsub.f32 v15, v14  }
0x97: {  	v35 =	vor.u32 v0, v6;
	v34 =	vld [tilespmem:s31+$0x5270];
	v14 =	vshll.u32 v16, $0x4  }
0x98: {  	[tilespmem:v19+s23+$0x0] =	vst.idx.add.f32.msk $0xffff, v27;
	v19 =	vadd.s32 v2, v6;
	v6 =	vshll.u32 v30, $0x4  }
0x99: {  	v27 =	vor.u32 v0, v5;
	[tilespmem:v17+s23+$0x0] =	vst.idx.add.f32.msk $0xffff, v3;
	v16 =	vshll.u32 v31, $0x4  }
0x9a: {  	[tilespmem:v26+s23+$0x0] =	vst.idx.add.f32.msk $0xffff, v24;
	v24 =	vadd.s32 v2, v5;
	v5 =	vshll.u32 v32, $0x4  }
0x9b: {  	v26 =	vor.u32 v0, v29;
	[tilespmem:v12+s23+$0x0] =	vst.idx.add.f32.msk $0xffff, v3;
	v12 =	vshll.u32 v33, $0x4  }
0x9c: {  	[tilespmem:v35+s23+$0x0] =	vst.idx.add.f32.msk $0xffff, v23;
	v23 =	vadd.s32 v2, v29;
	v17 =	vshll.u32 v34, $0x4  }
0x9d: {  	[tilespmem:v19+s23+$0x0] =	vst.idx.add.f32.msk $0xffff, v3;
	v19 =	vor.u32 v0, v28  }
0x9e: {  	[tilespmem:v27+s23+$0x0] =	vst.idx.add.f32.msk $0xffff, v22;
	v22 =	vadd.s32 v2, v28  }
0x9f: {  	[tilespmem:v24+s23+$0x0] =	vst.idx.add.f32.msk $0xffff, v3;
	v24 =	vor.u32 v0, v25  }
.Ltmp0:
0xa0: {  	[tilespmem:v26+s23+$0x0] =	vst.idx.add.f32.msk $0xffff, v18;
	v18 =	vadd.s32 v2, v25;
	(pc) =	sbr.rel @p1 .LBB2_2-.Ltmp0, $4  }
0xa1: {  	[tilespmem:v23+s23+$0x0] =	vst.idx.add.f32.msk $0xffff, v3  }
0xa2: {  	[tilespmem:v19+s23+$0x0] =	vst.idx.add.f32.msk $0xffff, v21  }
0xa3: {  	[tilespmem:v22+s23+$0x0] =	vst.idx.add.f32.msk $0xffff, v3  }
0xa4: {  	[tilespmem:v24+s23+$0x0] =	vst.idx.add.f32.msk $0xffff, v20  }
0xa5: {  	v17 =	vor.u32 v0, v17  }
0xa6: {  	v19 =	vadd.s32 $0x100, v17  }
0xa7: {  	v12 =	vor.u32 v0, v12  }
0xa8: {  	v20 =	vadd.s32 $0x100, v12  }
0xa9: {  	[tilespmem:v18+s23+$0x0] =	vst.idx.add.f32.msk $0xffff, v3;
	v6 =	vor.u32 v0, v6  }
0xaa: {  	[tilespmem:v17+s23+$0x0] =	vst.idx.add.f32.msk $0xffff, v15;
	v15 =	vadd.s32 $0x100, v6  }
0xab: {  	v5 =	vor.u32 v0, v5;
	[tilespmem:v19+s23+$0x0] =	vst.idx.add.f32.msk $0xffff, v3  }
0xac: {  	[tilespmem:v12+s23+$0x0] =	vst.idx.add.f32.msk $0xffff, v13;
	v12 =	vadd.s32 $0x100, v5  }
0xad: {  	v13 =	vor.u32 v0, v16;
	[tilespmem:v20+s23+$0x0] =	vst.idx.add.f32.msk $0xffff, v3  }
0xae: {  	[tilespmem:v6+s23+$0x0] =	vst.idx.add.f32.msk $0xffff, v10;
	v6 =	vadd.s32 $0x100, v13  }
0xaf: {  	v10 =	vor.u32 v0, v14;
	[tilespmem:v15+s23+$0x0] =	vst.idx.add.f32.msk $0xffff, v3  }
0xb0: {  	[tilespmem:v5+s23+$0x0] =	vst.idx.add.f32.msk $0xffff, v9;
	v5 =	vadd.s32 $0x100, v10  }
0xb1: {  	v9 =	vor.u32 v0, v11;
	[tilespmem:v12+s23+$0x0] =	vst.idx.add.f32.msk $0xffff, v3  }
0xb2: {  	[tilespmem:v13+s23+$0x0] =	vst.idx.add.f32.msk $0xffff, v8;
	v8 =	vadd.s32 $0x100, v9  }
0xb3: {  	[tilespmem:v6+s23+$0x0] =	vst.idx.add.f32.msk $0xffff, v3  }
0xb4: {  	[tilespmem:v10+s23+$0x0] =	vst.idx.add.f32.msk $0xffff, v7  }
0xb5: {  	[tilespmem:v5+s23+$0x0] =	vst.idx.add.f32.msk $0xffff, v3  }
0xb6: {  	[tilespmem:v9+s23+$0x0] =	vst.idx.add.f32.msk $0xffff, v4  }
0xb7: {  	[tilespmem:v8+s23+$0x0] =	vst.idx.add.f32.msk $0xffff, v3  }
0xb8: {  	_ =	swait.ge [sflag:s24], $0x28B0  }
0xb9: {  	[sflag:s24] =	ssyncset.done $0x0  }
0xba: {  	[sflag:s24] =	ssyncadd.s32 $0xFFFFD750  }
0xbb: {  	_ =	swait.ge [sflag:s24], $0x28B0  }
0xbc: {  	[sflag:s24] =	ssyncset.done $0x0  }
0xbd: {  	[sflag:s24] =	ssyncadd.s32 $0xFFFFD750  }
0xbe: {  	_ =	swait.ge [sflag:s24], $0x28B0  }
0xbf: {  	[sflag:s24] =	ssyncset.done $0x0  }
0xc0: {  	s30 =	simm.s32 $0x0;
	[sflag:s24] =	ssyncadd.s32 $0xFFFFD750  }
0xc1: {  	[tilespmem:s30], [sflag:$0x1] =	stream.linear.gather [hbm4b:s9+s30], $0x28B0, $0x38;
	[tilespmem:$0xF800] =	vst v63  }
0xc2: {  	_ = 	snop  }
0xc3: {  	[tilespmem:s17], [sflag:$0x1] =	stream.linear.gather [hbm4b:s10+s30], $0x28B0, $0x38;
	[tilespmem:$0xF800] =	vst v63  }
0xc4: {  	_ = 	snop  }
0xc5: {  	[tilespmem:s18], [sflag:$0x1] =	stream.linear.gather [hbm4b:s11+s30], $0x28B0, $0x38;
	[tilespmem:$0xF800] =	vst v63  }
0xc6: {  	v4 =	vld [tilespmem:$0xCD00]  }
0xc7: {  	v5 =	vld [tilespmem:$0xCD10]  }
0xc8: {  	v6 =	vld [tilespmem:$0xCD20]  }
0xc9: {  	v7 =	vld [tilespmem:$0xCD30]  }
0xca: {  	v8 =	vld [tilespmem:$0xCD40]  }
0xcb: {  	v9 =	vld [tilespmem:$0xCD50]  }
0xcc: {  	v10 =	vld [tilespmem:$0xCD60]  }
0xcd: {  	v11 =	vld [tilespmem:$0x7B00]  }
0xce: {  	v12 =	vld [tilespmem:$0x7B10]  }
0xcf: {  	v13 =	vld [tilespmem:$0x7B20]  }
0xd0: {  	v14 =	vld [tilespmem:$0x7B30]  }
0xd1: {  	v15 =	vld [tilespmem:$0x7B40]  }
0xd2: {  	v16 =	vld [tilespmem:$0x7B50]  }
0xd3: {  	v17 =	vld [tilespmem:$0x7B60]  }
0xd4: {  	v18 =	vld [tilespmem:$0xA400]  }
0xd5: {  	v19 =	vld [tilespmem:$0xA410]  }
0xd6: {  	v20 =	vld [tilespmem:$0xA420]  }
0xd7: {  	v21 =	vld [tilespmem:$0xA430]  }
0xd8: {  	v22 =	vld [tilespmem:$0xA440]  }
0xd9: {  	v23 =	vld [tilespmem:$0xA450]  }
0xda: {  	s30 =	simm.s32 $0x0;
	v24 =	vld [tilespmem:$0xA460]  }
0xdb: {  	v25 =	vld [tilespmem:s30+$0xA4C0]  }
0xdc: {  	v26 =	vld [tilespmem:s30+$0xA4D0]  }
0xdd: {  	v27 =	vld [tilespmem:s30+$0xA4B0]  }
0xde: {  	v28 =	vld [tilespmem:s30+$0xA4A0]  }
0xdf: {  	v29 =	vld [tilespmem:s30+$0xA490]  }
0xe0: {  	v30 =	vld [tilespmem:s30+$0xA480]  }
0xe1: {  	v31 =	vld [tilespmem:s30+$0xA470]  }
0xe2: {  	v32 =	vld [tilespmem:s30+$0x7BD0]  }
0xe3: {  	v33 =	vld [tilespmem:s30+$0x7BC0]  }
0xe4: {  	v34 =	vld [tilespmem:s30+$0x7BB0]  }
0xe5: {  	v35 =	vld [tilespmem:s30+$0x7BA0]  }
0xe6: {  	v36 =	vld [tilespmem:s30+$0x7B90]  }
0xe7: {  	v37 =	vld [tilespmem:s30+$0x7B80]  }
0xe8: {  	v38 =	vld [tilespmem:s30+$0xCDD0]  }
0xe9: {  	v39 =	vld [tilespmem:s30+$0x7B70]  }
0xea: {  	v40 =	vld [tilespmem:s30+$0xCDC0];
	v4 =	vshll.u32 v4, $0x4  }
0xeb: {  	v42 =	vld [tilespmem:s30+$0xCD90];
	v41 =	vor.u32 v0, v4  }
0xec: {  	v43 =	vld [tilespmem:s30+$0xCDB0];
	v5 =	vshll.u32 v5, $0x4;
	v4 =	vadd.s32 v2, v4  }
0xed: {  	v45 =	vld [tilespmem:s30+$0xCDA0];
	v44 =	vor.u32 v0, v5  }
0xee: {  	v46 =	vld [tilespmem:s30+$0xCD70];
	v11 =	vsub.f32 v11, v18;
	v6 =	vshll.u32 v6, $0x4;
	v5 =	vadd.s32 v2, v5  }
0xef: {  	v18 =	vld [tilespmem:s30+$0xCD80];
	v47 =	vor.u32 v0, v6  }
0xf0: {  	v7 =	vshll.u32 v7, $0x4;
	v6 =	vadd.s32 v2, v6;
	[tilespmem:v41+s23+$0x0] =	vst.idx.add.f32.msk $0xffff, v11;
	v11 =	vsub.f32 v12, v19  }
0xf1: {  	v12 =	vsub.f32 v13, v20;
	v13 =	vor.u32 v0, v7;
	[tilespmem:v4+s23+$0x0] =	vst.idx.add.f32.msk $0xffff, v3  }
0xf2: {  	v4 =	vshll.u32 v8, $0x4;
	v8 =	vadd.s32 v2, v7;
	[tilespmem:v44+s23+$0x0] =	vst.idx.add.f32.msk $0xffff, v11  }
0xf3: {  	v11 =	vsub.f32 v14, v21;
	[tilespmem:v5+s23+$0x0] =	vst.idx.add.f32.msk $0xffff, v3;
	v5 =	vor.u32 v0, v4  }
0xf4: {  	v7 =	vshll.u32 v9, $0x4;
	v14 =	vsub.f32 v15, v22;
	v15 =	vadd.s32 v2, v4;
	[tilespmem:v47+s23+$0x0] =	vst.idx.add.f32.msk $0xffff, v12  }
0xf5: {  	[tilespmem:v6+s23+$0x0] =	vst.idx.add.f32.msk $0xffff, v3;
	v6 =	vor.u32 v0, v7  }
0xf6: {  	[tilespmem:v13+s23+$0x0] =	vst.idx.add.f32.msk $0xffff, v11  }
0xf7: {  	v19 =	vsub.f32 v17, v24;
	[tilespmem:v8+s23+$0x0] =	vst.idx.add.f32.msk $0xffff, v3  }
0xf8: {  	v20 =	vshll.u32 v10, $0x4;
	v17 =	vadd.s32 v2, v7;
	v12 =	vsub.f32 v16, v23;
	[tilespmem:v5+s23+$0x0] =	vst.idx.add.f32.msk $0xffff, v14  }
0xf9: {  	v63 =	vor.u32 v0, v20;
	[tilespmem:v15+s23+$0x0] =	vst.idx.add.f32.msk $0xffff, v3  }
0xfa: {  	v10 =	vsub.f32 v36, v29;
	[tilespmem:v6+s23+$0x0] =	vst.idx.add.f32.msk $0xffff, v12;
	v12 =	vshll.u32 v18, $0x4;
	v18 =	vadd.s32 v2, v20  }
0xfb: {  	v9 =	vsub.f32 v35, v28;
	v4 =	vsub.f32 v32, v26;
	v16 =	vshll.u32 v43, $0x4  }
0xfc: {  	v7 =	vsub.f32 v33, v25;
	v13 =	vsub.f32 v37, v30;
	v11 =	vshll.u32 v38, $0x4  }
0xfd: {  	v8 =	vsub.f32 v34, v27;
	v14 =	vshll.u32 v40, $0x4;
	v5 =	vshll.u32 v45, $0x4;
	[tilespmem:v17+s23+$0x0] =	vst.idx.add.f32.msk $0xffff, v3  }
0xfe: {  	s30 =	simm.s32 $0x1C0;
	v15 =	vsub.f32 v39, v31;
	v6 =	vshll.u32 v42, $0x4;
	v17 =	vshll.u32 v46, $0x4;
	[tilespmem:v63+s23+$0x0] =	vst.idx.add.f32.msk $0xffff, v19  }
.LBB2_4:
0xff: {  	s31 =	sshra.s32 s30, $0x2;
	v19 =	vor.u32 v0, v17;
	p1 =	sne.s32 s30, $0x9F40;
	s30 =	sadd.s32 $0x1C0, s30;
	[tilespmem:v18+s23+$0x0] =	vst.idx.add.f32.msk $0xffff, v3;
	v20 =	vmovc v4;
	v21 =	vmov v7;
	v18 =	vmov v8  }
0x100: {  	v17 =	vadd.s32 v2, v17;
	v22 =	vmovc v9;
	v23 =	vmovc v10;
	v24 =	vmov v13;
	v25 =	vmov v11;
	v7 =	vld [tilespmem:s31+$0xA4C0]  }
0x101: {  	v26 =	vor.u32 v0, v12;
	v27 =	vmovc v15;
	v28 =	vmov v14;
	v29 =	vmov v16;
	v4 =	vld [tilespmem:s31+$0xA4D0]  }
0x102: {  	v8 =	vld [tilespmem:s31+$0xA4B0]  }
0x103: {  	v9 =	vld [tilespmem:s31+$0xA4A0]  }
0x104: {  	v10 =	vld [tilespmem:s31+$0xA490]  }
0x105: {  	v11 =	vld [tilespmem:s31+$0xA480]  }
0x106: {  	v14 =	vld [tilespmem:s31+$0xA470]  }
0x107: {  	v13 =	vld [tilespmem:s31+$0x7BD0]  }
0x108: {  	v15 =	vld [tilespmem:s31+$0x7BC0]  }
0x109: {  	v16 =	vld [tilespmem:s31+$0x7BB0]  }
0x10a: {  	v30 =	vld [tilespmem:s31+$0x7BA0]  }
0x10b: {  	v31 =	vld [tilespmem:s31+$0x7B90]  }
0x10c: {  	v32 =	vld [tilespmem:s31+$0x7B80];
	v4 =	vsub.f32 v13, v4  }
0x10d: {  	v33 =	vld [tilespmem:s31+$0xCDD0];
	v7 =	vsub.f32 v15, v7  }
0x10e: {  	v15 =	vld [tilespmem:s31+$0x7B70];
	v8 =	vsub.f32 v16, v8  }
0x10f: {  	v16 =	vld [tilespmem:s31+$0xCDC0];
	v9 =	vsub.f32 v30, v9  }
0x110: {  	v30 =	vld [tilespmem:s31+$0xCD90];
	v10 =	vsub.f32 v31, v10  }
0x111: {  	v31 =	vld [tilespmem:s31+$0xCDB0];
	v13 =	vsub.f32 v32, v11  }
0x112: {  	v32 =	vld [tilespmem:s31+$0xCDA0];
	v11 =	vshll.u32 v33, $0x4  }
0x113: {  	v12 =	vadd.s32 v2, v12;
	v33 =	vld [tilespmem:s31+$0xCD80];
	v15 =	vsub.f32 v15, v14  }
0x114: {  	v35 =	vor.u32 v0, v6;
	v34 =	vld [tilespmem:s31+$0xCD70];
	v14 =	vshll.u32 v16, $0x4  }
0x115: {  	[tilespmem:v19+s23+$0x0] =	vst.idx.add.f32.msk $0xffff, v27;
	v19 =	vadd.s32 v2, v6;
	v6 =	vshll.u32 v30, $0x4  }
0x116: {  	v27 =	vor.u32 v0, v5;
	[tilespmem:v17+s23+$0x0] =	vst.idx.add.f32.msk $0xffff, v3;
	v16 =	vshll.u32 v31, $0x4  }
0x117: {  	[tilespmem:v26+s23+$0x0] =	vst.idx.add.f32.msk $0xffff, v24;
	v24 =	vadd.s32 v2, v5;
	v5 =	vshll.u32 v32, $0x4  }
0x118: {  	v26 =	vor.u32 v0, v29;
	[tilespmem:v12+s23+$0x0] =	vst.idx.add.f32.msk $0xffff, v3;
	v12 =	vshll.u32 v33, $0x4  }
0x119: {  	[tilespmem:v35+s23+$0x0] =	vst.idx.add.f32.msk $0xffff, v23;
	v23 =	vadd.s32 v2, v29;
	v17 =	vshll.u32 v34, $0x4  }
0x11a: {  	[tilespmem:v19+s23+$0x0] =	vst.idx.add.f32.msk $0xffff, v3;
	v19 =	vor.u32 v0, v28  }
0x11b: {  	[tilespmem:v27+s23+$0x0] =	vst.idx.add.f32.msk $0xffff, v22;
	v22 =	vadd.s32 v2, v28  }
0x11c: {  	[tilespmem:v24+s23+$0x0] =	vst.idx.add.f32.msk $0xffff, v3;
	v24 =	vor.u32 v0, v25  }
.Ltmp1:
0x11d: {  	[tilespmem:v26+s23+$0x0] =	vst.idx.add.f32.msk $0xffff, v18;
	v18 =	vadd.s32 v2, v25;
	(pc) =	sbr.rel @p1 .LBB2_4-.Ltmp1, $4  }
0x11e: {  	[tilespmem:v23+s23+$0x0] =	vst.idx.add.f32.msk $0xffff, v3  }
0x11f: {  	[tilespmem:v19+s23+$0x0] =	vst.idx.add.f32.msk $0xffff, v21  }
0x120: {  	[tilespmem:v22+s23+$0x0] =	vst.idx.add.f32.msk $0xffff, v3  }
0x121: {  	[tilespmem:v24+s23+$0x0] =	vst.idx.add.f32.msk $0xffff, v20  }
0x122: {  	v17 =	vor.u32 v0, v17  }
0x123: {  	v19 =	vadd.s32 $0x100, v17  }
0x124: {  	v12 =	vor.u32 v0, v12  }
0x125: {  	v20 =	vadd.s32 $0x100, v12  }
0x126: {  	[tilespmem:v18+s23+$0x0] =	vst.idx.add.f32.msk $0xffff, v3;
	v6 =	vor.u32 v0, v6  }
0x127: {  	[tilespmem:v17+s23+$0x0] =	vst.idx.add.f32.msk $0xffff, v15;
	v15 =	vadd.s32 $0x100, v6  }
0x128: {  	v5 =	vor.u32 v0, v5;
	[tilespmem:v19+s23+$0x0] =	vst.idx.add.f32.msk $0xffff, v3  }
0x129: {  	[tilespmem:v12+s23+$0x0] =	vst.idx.add.f32.msk $0xffff, v13;
	v12 =	vadd.s32 $0x100, v5  }
0x12a: {  	v13 =	vor.u32 v0, v16;
	[tilespmem:v20+s23+$0x0] =	vst.idx.add.f32.msk $0xffff, v3  }
0x12b: {  	[tilespmem:v6+s23+$0x0] =	vst.idx.add.f32.msk $0xffff, v10;
	v6 =	vadd.s32 $0x100, v13  }
0x12c: {  	v10 =	vor.u32 v0, v14;
	[tilespmem:v15+s23+$0x0] =	vst.idx.add.f32.msk $0xffff, v3  }
0x12d: {  	[tilespmem:v5+s23+$0x0] =	vst.idx.add.f32.msk $0xffff, v9;
	v5 =	vadd.s32 $0x100, v10  }
0x12e: {  	v9 =	vor.u32 v0, v11;
	[tilespmem:v12+s23+$0x0] =	vst.idx.add.f32.msk $0xffff, v3  }
0x12f: {  	[tilespmem:v13+s23+$0x0] =	vst.idx.add.f32.msk $0xffff, v8;
	v8 =	vadd.s32 $0x100, v9  }
0x130: {  	[tilespmem:v6+s23+$0x0] =	vst.idx.add.f32.msk $0xffff, v3  }
0x131: {  	[tilespmem:v10+s23+$0x0] =	vst.idx.add.f32.msk $0xffff, v7  }
0x132: {  	[tilespmem:v5+s23+$0x0] =	vst.idx.add.f32.msk $0xffff, v3  }
0x133: {  	[tilespmem:v9+s23+$0x0] =	vst.idx.add.f32.msk $0xffff, v4  }
0x134: {  	[tilespmem:v8+s23+$0x0] =	vst.idx.add.f32.msk $0xffff, v3  }
0x135: {  	_ =	swait.ge [sflag:s19], $0x28B0  }
0x136: {  	[sflag:s19] =	ssyncset.done $0x0  }
0x137: {  	[sflag:s19] =	ssyncadd.s32 $0xFFFFD750  }
0x138: {  	_ =	swait.ge [sflag:s19], $0x28B0  }
0x139: {  	[sflag:s19] =	ssyncset.done $0x0  }
0x13a: {  	[sflag:s19] =	ssyncadd.s32 $0xFFFFD750  }
0x13b: {  	_ =	swait.ge [sflag:s19], $0x28B0  }
0x13c: {  	[sflag:s19] =	ssyncset.done $0x0  }
0x13d: {  	[sflag:s19] =	ssyncadd.s32 $0xFFFFD750  }
0x13e: {  	v4 =	vld [tilespmem:$0x5200]  }
0x13f: {  	v5 =	vld [tilespmem:$0x5210]  }
0x140: {  	v6 =	vld [tilespmem:$0x5220]  }
0x141: {  	v7 =	vld [tilespmem:$0x5230]  }
0x142: {  	v8 =	vld [tilespmem:$0x5240]  }
0x143: {  	v9 =	vld [tilespmem:$0x5250]  }
0x144: {  	v10 =	vld [tilespmem:$0x5260]  }
0x145: {  	v11 =	vld [tilespmem:$0x0]  }
0x146: {  	v12 =	vld [tilespmem:$0x10]  }
0x147: {  	v13 =	vld [tilespmem:$0x20]  }
0x148: {  	v14 =	vld [tilespmem:$0x30]  }
0x149: {  	v15 =	vld [tilespmem:$0x40]  }
0x14a: {  	v16 =	vld [tilespmem:$0x50]  }
0x14b: {  	v17 =	vld [tilespmem:$0x60]  }
0x14c: {  	v18 =	vld [tilespmem:$0x2900]  }
0x14d: {  	v19 =	vld [tilespmem:$0x2910]  }
0x14e: {  	v20 =	vld [tilespmem:$0x2920]  }
0x14f: {  	v21 =	vld [tilespmem:$0x2930]  }
0x150: {  	v22 =	vld [tilespmem:$0x2940]  }
0x151: {  	v23 =	vld [tilespmem:$0x2950]  }
0x152: {  	s30 =	simm.s32 $0x0;
	v24 =	vld [tilespmem:$0x2960]  }
0x153: {  	v25 =	vld [tilespmem:s30+$0x29C0]  }
0x154: {  	v26 =	vld [tilespmem:s30+$0x29D0]  }
0x155: {  	v27 =	vld [tilespmem:s30+$0x29B0]  }
0x156: {  	v28 =	vld [tilespmem:s30+$0x29A0]  }
0x157: {  	v29 =	vld [tilespmem:s30+$0x2990]  }
0x158: {  	v30 =	vld [tilespmem:s30+$0x2980]  }
0x159: {  	v31 =	vld [tilespmem:s30+$0x2970]  }
0x15a: {  	v32 =	vld [tilespmem:s30+$0xD0]  }
0x15b: {  	v33 =	vld [tilespmem:s30+$0xC0]  }
0x15c: {  	v34 =	vld [tilespmem:s30+$0xB0]  }
0x15d: {  	v35 =	vld [tilespmem:s30+$0xA0]  }
0x15e: {  	v36 =	vld [tilespmem:s30+$0x90]  }
0x15f: {  	v37 =	vld [tilespmem:s30+$0x80]  }
0x160: {  	v38 =	vld [tilespmem:s30+$0x52D0]  }
0x161: {  	v39 =	vld [tilespmem:s30+$0x70]  }
0x162: {  	v40 =	vld [tilespmem:s30+$0x52C0];
	v4 =	vshll.u32 v4, $0x4  }
0x163: {  	v42 =	vld [tilespmem:s30+$0x5290];
	v41 =	vor.u32 v0, v4  }
0x164: {  	v43 =	vld [tilespmem:s30+$0x52B0];
	v5 =	vshll.u32 v5, $0x4;
	v4 =	vadd.s32 v2, v4  }
0x165: {  	v45 =	vld [tilespmem:s30+$0x52A0];
	v44 =	vor.u32 v0, v5  }
0x166: {  	v46 =	vld [tilespmem:s30+$0x5270];
	v11 =	vsub.f32 v11, v18;
	v6 =	vshll.u32 v6, $0x4;
	v5 =	vadd.s32 v2, v5  }
0x167: {  	v18 =	vld [tilespmem:s30+$0x5280];
	v47 =	vor.u32 v0, v6  }
0x168: {  	v7 =	vshll.u32 v7, $0x4;
	v6 =	vadd.s32 v2, v6;
	[tilespmem:v41+s23+$0x0] =	vst.idx.add.f32.msk $0xffff, v11;
	v11 =	vsub.f32 v12, v19  }
0x169: {  	v12 =	vsub.f32 v13, v20;
	v13 =	vor.u32 v0, v7;
	[tilespmem:v4+s23+$0x0] =	vst.idx.add.f32.msk $0xffff, v3  }
0x16a: {  	v4 =	vshll.u32 v8, $0x4;
	v8 =	vadd.s32 v2, v7;
	[tilespmem:v44+s23+$0x0] =	vst.idx.add.f32.msk $0xffff, v11  }
0x16b: {  	v11 =	vsub.f32 v14, v21;
	[tilespmem:v5+s23+$0x0] =	vst.idx.add.f32.msk $0xffff, v3;
	v5 =	vor.u32 v0, v4  }
0x16c: {  	v7 =	vshll.u32 v9, $0x4;
	v14 =	vsub.f32 v15, v22;
	v15 =	vadd.s32 v2, v4;
	[tilespmem:v47+s23+$0x0] =	vst.idx.add.f32.msk $0xffff, v12  }
0x16d: {  	[tilespmem:v6+s23+$0x0] =	vst.idx.add.f32.msk $0xffff, v3;
	v6 =	vor.u32 v0, v7  }
0x16e: {  	[tilespmem:v13+s23+$0x0] =	vst.idx.add.f32.msk $0xffff, v11  }
0x16f: {  	v19 =	vsub.f32 v17, v24;
	[tilespmem:v8+s23+$0x0] =	vst.idx.add.f32.msk $0xffff, v3  }
0x170: {  	v20 =	vshll.u32 v10, $0x4;
	v17 =	vadd.s32 v2, v7;
	v12 =	vsub.f32 v16, v23;
	[tilespmem:v5+s23+$0x0] =	vst.idx.add.f32.msk $0xffff, v14  }
0x171: {  	v63 =	vor.u32 v0, v20;
	[tilespmem:v15+s23+$0x0] =	vst.idx.add.f32.msk $0xffff, v3  }
0x172: {  	v10 =	vsub.f32 v36, v29;
	[tilespmem:v6+s23+$0x0] =	vst.idx.add.f32.msk $0xffff, v12;
	v12 =	vshll.u32 v18, $0x4;
	v18 =	vadd.s32 v2, v20  }
0x173: {  	v9 =	vsub.f32 v35, v28;
	v4 =	vsub.f32 v32, v26;
	v16 =	vshll.u32 v43, $0x4  }
0x174: {  	v7 =	vsub.f32 v33, v25;
	v13 =	vsub.f32 v37, v30;
	v11 =	vshll.u32 v38, $0x4  }
0x175: {  	v8 =	vsub.f32 v34, v27;
	v14 =	vshll.u32 v40, $0x4;
	v5 =	vshll.u32 v45, $0x4;
	[tilespmem:v17+s23+$0x0] =	vst.idx.add.f32.msk $0xffff, v3  }
0x176: {  	s30 =	simm.s32 $0x1C0;
	v15 =	vsub.f32 v39, v31;
	v6 =	vshll.u32 v42, $0x4;
	v17 =	vshll.u32 v46, $0x4;
	[tilespmem:v63+s23+$0x0] =	vst.idx.add.f32.msk $0xffff, v19  }
.LBB2_6:
0x177: {  	s31 =	sshra.s32 s30, $0x2;
	v19 =	vor.u32 v0, v17;
	p1 =	sne.s32 s30, $0x9F40;
	s30 =	sadd.s32 $0x1C0, s30;
	[tilespmem:v18+s23+$0x0] =	vst.idx.add.f32.msk $0xffff, v3;
	v20 =	vmovc v4;
	v21 =	vmov v7;
	v18 =	vmov v8  }
0x178: {  	v17 =	vadd.s32 v2, v17;
	v22 =	vmovc v9;
	v23 =	vmovc v10;
	v24 =	vmov v13;
	v25 =	vmov v11;
	v7 =	vld [tilespmem:s31+$0x29C0]  }
0x179: {  	v26 =	vor.u32 v0, v12;
	v27 =	vmovc v15;
	v28 =	vmov v14;
	v29 =	vmov v16;
	v4 =	vld [tilespmem:s31+$0x29D0]  }
0x17a: {  	v8 =	vld [tilespmem:s31+$0x29B0]  }
0x17b: {  	v9 =	vld [tilespmem:s31+$0x29A0]  }
0x17c: {  	v10 =	vld [tilespmem:s31+$0x2990]  }
0x17d: {  	v11 =	vld [tilespmem:s31+$0x2980]  }
0x17e: {  	v14 =	vld [tilespmem:s31+$0x2970]  }
0x17f: {  	v13 =	vld [tilespmem:s31+$0xD0]  }
0x180: {  	v15 =	vld [tilespmem:s31+$0xC0]  }
0x181: {  	v16 =	vld [tilespmem:s31+$0xB0]  }
0x182: {  	v30 =	vld [tilespmem:s31+$0xA0]  }
0x183: {  	v31 =	vld [tilespmem:s31+$0x90]  }
0x184: {  	v32 =	vld [tilespmem:s31+$0x80];
	v4 =	vsub.f32 v13, v4  }
0x185: {  	v33 =	vld [tilespmem:s31+$0x52D0];
	v7 =	vsub.f32 v15, v7  }
0x186: {  	v15 =	vld [tilespmem:s31+$0x70];
	v8 =	vsub.f32 v16, v8  }
0x187: {  	v16 =	vld [tilespmem:s31+$0x52C0];
	v9 =	vsub.f32 v30, v9  }
0x188: {  	v30 =	vld [tilespmem:s31+$0x5290];
	v10 =	vsub.f32 v31, v10  }
0x189: {  	v31 =	vld [tilespmem:s31+$0x52B0];
	v13 =	vsub.f32 v32, v11  }
0x18a: {  	v32 =	vld [tilespmem:s31+$0x52A0];
	v11 =	vshll.u32 v33, $0x4  }
0x18b: {  	v12 =	vadd.s32 v2, v12;
	v33 =	vld [tilespmem:s31+$0x5280];
	v15 =	vsub.f32 v15, v14  }
0x18c: {  	v35 =	vor.u32 v0, v6;
	v34 =	vld [tilespmem:s31+$0x5270];
	v14 =	vshll.u32 v16, $0x4  }
0x18d: {  	[tilespmem:v19+s23+$0x0] =	vst.idx.add.f32.msk $0xffff, v27;
	v19 =	vadd.s32 v2, v6;
	v6 =	vshll.u32 v30, $0x4  }
0x18e: {  	v27 =	vor.u32 v0, v5;
	[tilespmem:v17+s23+$0x0] =	vst.idx.add.f32.msk $0xffff, v3;
	v16 =	vshll.u32 v31, $0x4  }
0x18f: {  	[tilespmem:v26+s23+$0x0] =	vst.idx.add.f32.msk $0xffff, v24;
	v24 =	vadd.s32 v2, v5;
	v5 =	vshll.u32 v32, $0x4  }
0x190: {  	v26 =	vor.u32 v0, v29;
	[tilespmem:v12+s23+$0x0] =	vst.idx.add.f32.msk $0xffff, v3;
	v12 =	vshll.u32 v33, $0x4  }
0x191: {  	[tilespmem:v35+s23+$0x0] =	vst.idx.add.f32.msk $0xffff, v23;
	v23 =	vadd.s32 v2, v29;
	v17 =	vshll.u32 v34, $0x4  }
0x192: {  	[tilespmem:v19+s23+$0x0] =	vst.idx.add.f32.msk $0xffff, v3;
	v19 =	vor.u32 v0, v28  }
0x193: {  	[tilespmem:v27+s23+$0x0] =	vst.idx.add.f32.msk $0xffff, v22;
	v22 =	vadd.s32 v2, v28  }
0x194: {  	[tilespmem:v24+s23+$0x0] =	vst.idx.add.f32.msk $0xffff, v3;
	v24 =	vor.u32 v0, v25  }
.Ltmp2:
0x195: {  	[tilespmem:v26+s23+$0x0] =	vst.idx.add.f32.msk $0xffff, v18;
	v18 =	vadd.s32 v2, v25;
	(pc) =	sbr.rel @p1 .LBB2_6-.Ltmp2, $4  }
0x196: {  	[tilespmem:v23+s23+$0x0] =	vst.idx.add.f32.msk $0xffff, v3  }
0x197: {  	[tilespmem:v19+s23+$0x0] =	vst.idx.add.f32.msk $0xffff, v21  }
0x198: {  	[tilespmem:v22+s23+$0x0] =	vst.idx.add.f32.msk $0xffff, v3  }
0x199: {  	[tilespmem:v24+s23+$0x0] =	vst.idx.add.f32.msk $0xffff, v20  }
0x19a: {  	v17 =	vor.u32 v0, v17  }
0x19b: {  	v19 =	vadd.s32 $0x100, v17  }
0x19c: {  	v12 =	vor.u32 v0, v12  }
0x19d: {  	v20 =	vadd.s32 $0x100, v12  }
0x19e: {  	[tilespmem:v18+s23+$0x0] =	vst.idx.add.f32.msk $0xffff, v3;
	v6 =	vor.u32 v0, v6  }
0x19f: {  	v57 =	vadd.s32 $0x100, v6;
	[tilespmem:v17+s23+$0x0] =	vst.idx.add.f32.msk $0xffff, v15  }
0x1a0: {  	v5 =	vor.u32 v0, v5;
	[tilespmem:v19+s23+$0x0] =	vst.idx.add.f32.msk $0xffff, v3  }
0x1a1: {  	v58 =	vadd.s32 $0x100, v5;
	[tilespmem:v12+s23+$0x0] =	vst.idx.add.f32.msk $0xffff, v13  }
0x1a2: {  	v59 =	vor.u32 v0, v16;
	[tilespmem:v20+s23+$0x0] =	vst.idx.add.f32.msk $0xffff, v3  }
0x1a3: {  	v60 =	vadd.s32 $0x100, v59;
	[tilespmem:v6+s23+$0x0] =	vst.idx.add.f32.msk $0xffff, v10  }
0x1a4: {  	v61 =	vor.u32 v0, v14;
	[tilespmem:v57+s23+$0x0] =	vst.idx.add.f32.msk $0xffff, v3  }
0x1a5: {  	[tilespmem:v5+s23+$0x0] =	vst.idx.add.f32.msk $0xffff, v9;
	v5 =	vadd.s32 $0x100, v61  }
0x1a6: {  	v62 =	vor.u32 v0, v11;
	[tilespmem:v58+s23+$0x0] =	vst.idx.add.f32.msk $0xffff, v3  }
0x1a7: {  	v63 =	vadd.s32 $0x100, v62;
	[tilespmem:v59+s23+$0x0] =	vst.idx.add.f32.msk $0xffff, v8  }
0x1a8: {  	[tilespmem:v60+s23+$0x0] =	vst.idx.add.f32.msk $0xffff, v3  }
0x1a9: {  	[tilespmem:v61+s23+$0x0] =	vst.idx.add.f32.msk $0xffff, v7  }
0x1aa: {  	[tilespmem:v5+s23+$0x0] =	vst.idx.add.f32.msk $0xffff, v3  }
0x1ab: {  	[tilespmem:v62+s23+$0x0] =	vst.idx.add.f32.msk $0xffff, v4  }
0x1ac: {  	s30 =	simm.s32 @!p0 $0x0;
	s31 =	simm.s32 @!p0 $0x5200;
	[tilespmem:v63+s23+$0x0] =	vst.idx.add.f32.msk $0xffff, v3  }
0x1ad: {  	[tilespmem:s31], [sflag:$0x3] =	stream.linear.gather @!p0 [hbm4b:s12+s30], $0x10, $0x38;
	[tilespmem:$0xF800] =	vst v63  }
0x1ae: {  	s31 =	simm.s32 @!p0 $0x3  }
0x1af: {  	_ =	swait.ge @!p0 [sflag:s31], $0x10  }
0x1b0: {  	[sflag:s31] =	ssyncset.done @!p0 $0x0  }
0x1b1: {  	[sflag:s31] =	ssyncadd.s32 @!p0 $0xFFFFFFF0  }
0x1b2: {  	[tilespmem:s30], [sflag:$0x3] =	stream.linear.gather @!p0 [hbm4b:s13+s30], $0x10, $0x38;
	[tilespmem:$0xF800] =	vst v63  }
0x1b3: {  	_ =	swait.ge @!p0 [sflag:s31], $0x10  }
0x1b4: {  	[sflag:s31] =	ssyncset.done @!p0 $0x0  }
0x1b5: {  	s0 =	simm.s32 @!p0 $0x2900;
	[sflag:s31] =	ssyncadd.s32 @!p0 $0xFFFFFFF0  }
0x1b6: {  	[tilespmem:s0], [sflag:$0x3] =	stream.linear.gather @!p0 [hbm4b:s14+s30], $0x10, $0x38;
	[tilespmem:$0xF800] =	vst v63  }
0x1b7: {  	_ =	swait.ge @!p0 [sflag:s31], $0x10  }
0x1b8: {  	[sflag:s31] =	ssyncset.done @!p0 $0x0  }
0x1b9: {  	[sflag:s31] =	ssyncadd.s32 @!p0 $0xFFFFFFF0  }
0x1ba: {  	v4 =	vld @!p0 [tilespmem:$0x5200];
	_ =	sdelay $0x2  }
0x1bb: {  	v5 =	vld @!p0 [tilespmem:$0x0]  }
0x1bc: {  	v6 =	vld @!p0 [tilespmem:$0x2900]  }
0x1bd: {  	v7 =	vlaneseq.u32 @!p0;
	v4 =	vshll.u32 @!p0 v4, $0x4  }
0x1be: {  	v8 =	vor.u32 @!p0 v7, v4;
	v7 =	vor.u32 @!p0 $0x100, v7  }
0x1bf: {  	v4 =	vadd.s32 @!p0 v7, v4;
	_ =	sdelay $0x1  }
0x1c0: {  	v5 =	vsub.f32 @!p0 v5, v6  }
0x1c1: {  	s29 =	sadd.s32 $0x1, s29;
	s0 =	simm.s32 @!p0 $0xF600  }
0x1c2: {  	p1 =	sne.s32 s29, s16;
	[tilespmem:v8+s0+$0x0] =	vst.idx.add.f32.msk @!p0 $0xffff, v5;
	v5 =	vimm.f32 @!p0 $1.000000000e+00  }
.Ltmp3:
0x1c3: {  	[tilespmem:v4+s0+$0x0] =	vst.idx.add.f32.msk @!p0 $0xffff, v5;
	(pc) =	sbr.rel @p1 .LBB2_1-.Ltmp3, $4  }
0x1c4: {  	[hbm4b:s15+s25] =	stream.strided.scatter [tilespmem:s23], [sflag:$0x3], $0x200, s26, s25, $0x38;
	[tilespmem:$0xF800] =	vst v63  }
0x1c5: {  	_ =	swait.ge [sflag:s28], $0x200  }
0x1c6: {  	[sflag:s28] =	ssyncset.done $0x0  }
0x1c7: {  	[sflag:s28] =	ssyncadd.s32 $0xFFFFFE00  }
0x1c8: {  	_ =	sfence.sel $0x180000  }
0x1c9: {  	[bflag:$0x0] =	sbarrier.arrive $0xFFFF  }
0x1ca: {  	_ =	strace $0x90000047  }
0x1cb: {  	[bflag:$0x2] =	sbarrier.arrive $0xFFFF  }
0x1cc: {  	p0 =	sne.s32 s1, $0x0;
	s0 =	rddreg [dreg:$0x4]  }
0x1cd: {  	s0 =	sadd.s32 @!p0 $0x100000, s0  }
0x1ce: {  	[sflag:s0] =	ssyncadd.tile.s32 @!p0 $0x1;
	_ =	shalt  }
.Lfunc_end2:
_tile_overlayer_lowered:
.L_overlay_start_2:
0x1cf: {  	(tag) =	ssettag $0x2  }
0x1d0: {  	s0 =	rddreg [dreg:$0x0];
	s2 =	stileid.u32  }
0x1d1: {  	s1 =	rddreg [dreg:$0x1];
	p0 =	sne.s32 s2, $0x0  }
0x1d2: {  	s3 =	rddreg [dreg:$0x2];
	[bflag:$0x3] =	sbarrier.arrive $0xFFFF;
	s2 =	simm.s32 @!p0 $0x1C03  }
0x1d3: {  	[timem:s3], [sflag:s2] =	dma.local @!p0 [hbm:s0], s1  }
0x1d4: {  	s0 =	simm.s32 @!p0 $0x3  }
0x1d5: {  	_ =	swait.ge @!p0 [sflag:s0], s1  }
0x1d6: {  	s1 =	ssub.s32 @!p0 $0x0, s1;
	[sflag:s0] =	ssyncset.done @!p0 $0x0  }
0x1d7: {  	[sflag:s0] =	ssyncadd.s32 @!p0 s1  }
0x1d8: {  	[bflag:$0x3] =	sbarrier.arrive $0xFFFF  }
0x1d9: {  	_ =	shalt  }

</sc_bundles>
